<compile_context>
chip_gen: v7x
topology: tpu7x:2x2x1
jax: 0.10.2.dev20260603
libtpu: 0.0.44.dev20260713+nightly
codegen_flags: <defaults>
</compile_context>

<pallas_src>
import functools

import jax
import jax.numpy as jnp
from jax import lax
from jax.experimental import pallas as pl
from jax.experimental.pallas import tpu as pltpu
from jax.experimental.pallas import tpu_sc as plsc

N = 10000
E = 320000
IN_FEAT = 128
REL_DIM = 32
HID = 64
NUM_RELS = 200
RELS_PAD = 256
NUM_BASES = 4
DP = 256

NC = 2
NS = 16
NW = NC * NS
CH = 128
EPT = 10240
NCH = EPT // CH
EPAD = NW * EPT
_EBLK = 2048
_EGRID = EPAD // _EBLK
_EGRID_H = _EGRID // 2
NAG = 10240
NPK2 = NAG // 2
RPT2 = NPK2 // NS

_MESH = plsc.VectorSubcoreMesh(core_axis_name="c", subcore_axis_name="s")



def _gather_body(h_hbm, src_hbm, out_hbm, idx_v, rows_v, sem):
    c = lax.axis_index("c")
    s = lax.axis_index("s")
    wid = s * NC + c
    base = wid * EPT

    @pl.loop(0, NCH)
    def _chunk(i):
        off = pl.multiple_of(base + i * CH, CH)
        pltpu.sync_copy(src_hbm.at[pl.ds(off, CH)], idx_v)
        pltpu.async_copy(h_hbm.at[idx_v], rows_v, sem).wait()
        pltpu.sync_copy(rows_v, out_hbm.at[pl.ds(off, CH)])


_sc_gather = functools.partial(
    pl.kernel,
    mesh=_MESH,
    out_type=jax.ShapeDtypeStruct((EPAD, DP), jnp.float32),
    scratch_types=[
        pltpu.VMEM((CH,), jnp.int32),
        pltpu.VMEM((CH, DP), jnp.float32),
        pltpu.SemaphoreType.DMA,
    ],
)(_gather_body)


def _tc_scatter_body(dst_smem, msg_ref, out_ref, acc_ref):
    i = pl.program_id(0)

    @pl.when(i == 0)
    def _init():
        acc_ref[...] = jnp.zeros_like(acc_ref)

    base = i * _EBLK

    def step(j, carry):
        d = dst_smem[base + j]
        acc_ref[pl.ds(d, 1), :] = (acc_ref[pl.ds(d, 1), :]
                                   + msg_ref[pl.ds(j, 1), :])
        return carry

    lax.fori_loop(0, _EBLK, step, 0)

    @pl.when(i == _EGRID_H - 1)
    def _out():
        out_ref[...] = acc_ref[...]


def _tc_scatter(dst_half, msg_half):
    return pl.pallas_call(
        _tc_scatter_body,
        grid_spec=pltpu.PrefetchScalarGridSpec(
            num_scalar_prefetch=1,
            grid=(_EGRID_H,),
            in_specs=[pl.BlockSpec((_EBLK, HID), lambda i, d: (i, 0))],
            out_specs=pl.BlockSpec((NAG, HID), lambda i, d: (0, 0)),
            scratch_shapes=[pltpu.VMEM((NAG, HID), jnp.float32)],
        ),
        out_shape=jax.ShapeDtypeStruct((NAG, HID), jnp.float32),
    )(dst_half, msg_half)



_NBLK = 10
_NR = N // _NBLK


def _input_body(feat_ref, qr_ref, rel_ref, wf_ref, we_ref, bin_ref, awe_ref,
                h0_ref, era_ref):
    t_in = jnp.dot(rel_ref[...], we_ref[...], preferred_element_type=jnp.float32)
    t_attn = jnp.dot(rel_ref[...], awe_ref[...], preferred_element_type=jnp.float32)
    iota = lax.broadcasted_iota(jnp.int32, (_NR, RELS_PAD), 1)
    onehot = (qr_ref[...] == iota).astype(jnp.float32)
    er_in = jnp.dot(onehot, t_in, preferred_element_type=jnp.float32)
    era_ref[...] = jnp.dot(onehot, t_attn, preferred_element_type=jnp.float32)
    h0 = jnp.dot(feat_ref[...], wf_ref[...], preferred_element_type=jnp.float32)
    h0_ref[...] = jnp.maximum(h0 + er_in + bin_ref[...], 0.0)


def _tc_input(feat, qr2d, rel_pad, w_f, w_e, b_in, attn_we):
    return pl.pallas_call(
        _input_body,
        grid=(_NBLK,),
        in_specs=[
            pl.BlockSpec((_NR, IN_FEAT), lambda i: (i, 0)),
            pl.BlockSpec((_NR, 1), lambda i: (i, 0)),
            pl.BlockSpec((RELS_PAD, REL_DIM), lambda i: (0, 0)),
            pl.BlockSpec((IN_FEAT, HID), lambda i: (0, 0)),
            pl.BlockSpec((REL_DIM, HID), lambda i: (0, 0)),
            pl.BlockSpec((1, HID), lambda i: (0, 0)),
            pl.BlockSpec((REL_DIM, HID), lambda i: (0, 0)),
        ],
        out_specs=[
            pl.BlockSpec((_NR, HID), lambda i: (i, 0)),
            pl.BlockSpec((_NR, HID), lambda i: (i, 0)),
        ],
        out_shape=[
            jax.ShapeDtypeStruct((N, HID), jnp.float32),
            jax.ShapeDtypeStruct((N, HID), jnp.float32),
        ],
    )(feat, qr2d, rel_pad, w_f, w_e, b_in, attn_we)


def _msg_body(hs_ref, et_ref, bmat_ref, coef_ref, msg_ref):
    hsrc = hs_ref[:, :HID]
    hb = jnp.dot(hsrc, bmat_ref[...], preferred_element_type=jnp.float32)
    iota = lax.broadcasted_iota(jnp.int32, (_EBLK, RELS_PAD), 1)
    onehot = (et_ref[...] == iota).astype(jnp.float32)
    cb = jnp.dot(onehot, coef_ref[...], preferred_element_type=jnp.float32)
    acc = cb[:, 0:1] * hb[:, 0:HID]
    for b in range(1, NUM_BASES):
        acc = acc + cb[:, b:b + 1] * hb[:, b * HID:(b + 1) * HID]
    msg_ref[...] = acc


def _tc_msg(h_srcp, et2d, bmat, coef_pad):
    return pl.pallas_call(
        _msg_body,
        grid=(_EGRID,),
        in_specs=[
            pl.BlockSpec((_EBLK, DP), lambda i: (i, 0)),
            pl.BlockSpec((_EBLK, 1), lambda i: (i, 0)),
            pl.BlockSpec((HID, NUM_BASES * HID), lambda i: (0, 0)),
            pl.BlockSpec((RELS_PAD, NUM_BASES), lambda i: (0, 0)),
        ],
        out_specs=pl.BlockSpec((_EBLK, HID), lambda i: (i, 0)),
        out_shape=jax.ShapeDtypeStruct((EPAD, HID), jnp.float32),
    )(h_srcp, et2d, bmat, coef_pad)


def _combine_body(p0_ref, p1_ref, h_ref, ws_ref, b_ref, out_ref):
    hs = jnp.dot(h_ref[...], ws_ref[...], preferred_element_type=jnp.float32)
    out_ref[...] = jnp.maximum(p0_ref[...] + p1_ref[...] + hs + b_ref[...], 0.0)


def _tc_combine(agg0, agg1, h, w_self, b_self):
    return pl.pallas_call(
        _combine_body,
        grid=(_NBLK,),
        in_specs=[
            pl.BlockSpec((_NR, HID), lambda i: (i, 0)),
            pl.BlockSpec((_NR, HID), lambda i: (i, 0)),
            pl.BlockSpec((_NR, HID), lambda i: (i, 0)),
            pl.BlockSpec((HID, HID), lambda i: (0, 0)),
            pl.BlockSpec((1, HID), lambda i: (0, 0)),
        ],
        out_specs=pl.BlockSpec((_NR, HID), lambda i: (i, 0)),
        out_shape=jax.ShapeDtypeStruct((N, HID), jnp.float32),
    )(agg0, agg1, h, w_self, b_self)


def _readout_body(h_ref, era_ref, awh_ref, ab_ref, sw_ref, sb_ref,
                  ow_ref, ob_ref, out_ref):
    h = h_ref[...]
    a = jnp.tanh(
        jnp.dot(h, awh_ref[...], preferred_element_type=jnp.float32)
        + era_ref[...] + ab_ref[...])
    s = jnp.sum(a * sw_ref[...], axis=1, keepdims=True) + sb_ref[0, 0]
    m = jnp.max(s)
    e = jnp.exp(s - m)
    alpha = e / jnp.sum(e)
    z = jnp.sum(h * alpha, axis=0, keepdims=True)
    out_ref[...] = (jnp.sum(z * ow_ref[...]) + ob_ref[0, 0]).reshape(1, 1)


def _tc_readout(h, era, attn_wh, attn_b, score_w, score_b, out_w, out_b):
    return pl.pallas_call(
        _readout_body,
        out_shape=jax.ShapeDtypeStruct((1, 1), jnp.float32),
    )(h, era, attn_wh, attn_b, score_w, score_b, out_w, out_b)



def kernel(feat, query_rel, edge_index, etypes, params):
    p = params
    pad_e = EPAD - E
    spread = jnp.arange(pad_e, dtype=jnp.int32) % N
    src_pad = jnp.concatenate([edge_index[0], spread])
    dst_pad = jnp.concatenate([edge_index[1], spread])
    et_pad = jnp.concatenate(
        [etypes, jnp.full((pad_e,), NUM_RELS, jnp.int32)]).reshape(EPAD, 1)
    qr2d = query_rel.reshape(N, 1)

    rel_pad = jnp.zeros((RELS_PAD, REL_DIM), jnp.float32).at[:NUM_RELS].set(
        p['rel_emb'])
    w_f = p['in_W'][:IN_FEAT]
    w_e = p['in_W'][IN_FEAT:]
    b_in = p['in_b'].reshape(1, HID)
    attn_wh = p['attn_W'][:HID]
    attn_we = p['attn_W'][HID:]
    attn_b = p['attn_b'].reshape(1, HID)
    score_w = p['score_W'].reshape(1, HID)
    score_b = p['score_b'].reshape(1, 1)
    out_w = p['out_W'].reshape(1, HID)
    out_b = p['out_b'].reshape(1, 1)

    h, era = _tc_input(feat, qr2d, rel_pad, w_f, w_e, b_in, attn_we)

    for l in range(2):
        bmat = p['basis%d' % l].transpose(1, 0, 2).reshape(HID, NUM_BASES * HID)
        coef_pad = jnp.zeros((RELS_PAD, NUM_BASES), jnp.float32).at[
            :NUM_RELS].set(p['coef%d' % l])
        hpad = jnp.zeros((N, DP), jnp.float32).at[:, :HID].set(h)
        h_srcp = _sc_gather(hpad, src_pad)
        msg = _tc_msg(h_srcp, et_pad, bmat, coef_pad)
        eh = EPAD // 2
        agg0 = _tc_scatter(dst_pad[:eh], msg[:eh])
        agg1 = _tc_scatter(dst_pad[eh:], msg[eh:])
        h = _tc_combine(agg0, agg1, h, p['self%d' % l],
                        p['sbias%d' % l].reshape(1, HID))

    out = _tc_readout(h, era, attn_wh, attn_b, score_w, score_b, out_w, out_b)
    return out.reshape(1)

# --- scband reference (transcript-rebuilt; emitter-appended) ---
"""Pipeline reference for scband-rasgmodel-3375844294927 (READ-ONLY COPY).

The authoritative reference and input builder live on the scoring server;
editing this copy changes nothing except your own understanding.
"""

import jax, jax.numpy as jnp
import numpy as np

N = 10000
E = 320000
IN_FEAT = 128
REL_DIM = 32
HID = 64
NUM_RELS = 200
NUM_BASES = 4
NUM_LAYERS = 2


def _lin(k, fin, fout):
    kw, kb = jax.random.split(k)
    W = jax.random.normal(kw, (fin, fout), dtype=jnp.float32) / np.sqrt(fin)
    b = jnp.zeros((fout,), dtype=jnp.float32)
    return W, b


def setup_inputs(seed: int = 0) -> dict:
    key = jax.random.key(seed)
    ks = jax.random.split(key, 20)
    feat = jax.random.normal(ks[0], (N, IN_FEAT), dtype=jnp.float32)
    query_rel = jax.random.randint(ks[1], (N,), 0, NUM_RELS, dtype=jnp.int32)
    edge_index = jax.random.randint(ks[2], (2, E), 0, N, dtype=jnp.int32)
    etypes = jax.random.randint(ks[3], (E,), 0, NUM_RELS, dtype=jnp.int32)
    params = {}
    params['rel_emb'] = jax.random.normal(ks[4], (NUM_RELS, REL_DIM), dtype=jnp.float32) * 0.05
    params['in_W'], params['in_b'] = _lin(ks[5], IN_FEAT + REL_DIM, HID)
    for l in range(NUM_LAYERS):
        params['basis%d' % l] = jax.random.normal(ks[6 + 3 * l], (NUM_BASES, HID, HID), dtype=jnp.float32) / np.sqrt(HID)
        params['coef%d' % l] = jax.random.normal(ks[7 + 3 * l], (NUM_RELS, NUM_BASES), dtype=jnp.float32) / np.sqrt(NUM_BASES)
        params['self%d' % l] = jax.random.normal(ks[8 + 3 * l], (HID, HID), dtype=jnp.float32) / np.sqrt(HID)
        params['sbias%d' % l] = jnp.zeros((HID,), dtype=jnp.float32)
    params['attn_W'], params['attn_b'] = _lin(ks[14], HID + REL_DIM, HID)
    params['score_W'], params['score_b'] = _lin(ks[15], HID, 1)
    params['out_W'], params['out_b'] = _lin(ks[16], HID, 1)
    return {'feat': feat, 'query_rel': query_rel, 'edge_index': edge_index, 'etypes': etypes, 'params': params}


def _rgcn_layer(h, edge_index, etypes, basis, coef, Wself, bias):
    src = edge_index[0]
    dst = edge_index[1]
    # basis-decomposed relational transform: W_r = sum_b coef[r,b] * basis[b]
    h_basis = jnp.einsum('nh,bho->bno', h, basis)            # [B, N, HID]
    h_src = h_basis[:, src, :]                                # gather: [B, E, HID]
    msg = jnp.einsum('eb,beo->eo', coef[etypes], h_src)       # [E, HID]
    agg = jax.ops.segment_sum(msg, dst, num_segments=h.shape[0])
    return agg + h @ Wself + bias


def reference(feat, query_rel, edge_index, etypes, params):
    er = params['rel_emb'][query_rel]                         # [N, REL_DIM]
    h = jnp.concatenate([feat, er], axis=-1)
    h = jax.nn.relu(h @ params['in_W'] + params['in_b'])
    for l in range(NUM_LAYERS):
        h = jax.nn.relu(_rgcn_layer(h, edge_index, etypes, params['basis%d' % l], params['coef%d' % l], params['self%d' % l], params['sbias%d' % l]))
    cat = jnp.concatenate([h, er], axis=-1)
    a = jnp.tanh(cat @ params['attn_W'] + params['attn_b'])
    a = (a @ params['score_W'] + params['score_b'])[:, 0]
    alpha = jax.nn.softmax(a, axis=0)
    z = jnp.sum(h * alpha[:, None], axis=0)
    score = z @ params['out_W'] + params['out_b']             # [1] == batch of 1 subgraph
    return score

if __name__ == "__main__":
    import jax
    _d = setup_inputs()
    print(jax.jit(kernel)(*tuple(_d.values())))

</pallas_src>

<mosaic_0001>
#map = affine_map<(d0, d1) -> (0, 0)>
#map1 = affine_map<(d0, d1) -> (0)>
module attributes {stable_mosaic.version = 14 : i64} {
  func.func @_gather_body(%arg0: i32, %arg1: i32, %arg2: memref<10000x256xf32, #tpu.memory_space<hbm>>, %arg3: memref<327680xi32, #tpu.memory_space<hbm>>, %arg4: memref<327680x256xf32, #tpu.memory_space<hbm>>, %arg5: memref<128xi32, #tpu.memory_space<vmem>>, %arg6: memref<128x256xf32, #tpu.memory_space<vmem>>, %arg7: memref<!tpu.dma_semaphore, #tpu.memory_space<semaphore_mem>>) attributes {dimension_semantics = [#tpu.dimension_semantics<core_parallel>, #tpu.dimension_semantics<subcore_parallel>], iteration_bounds = array<i64: 2, 16>, scalar_prefetch = 0 : i64, scratch_operands = 3 : i64, tpu.core_type = #tpu.core_type<sc_vector_subcore>, window_params = [{transform_indices = #map}, {transform_indices = #map1}, {transform_indices = #map}]} {
    %mul3A = arith.constant 2 : i32
    %mul3A_0 = arith.muli %arg1, %mul3A : i32
    %add3A = arith.addi %mul3A_0, %arg0 : i32
    %mul3A_1 = arith.constant 10240 : i32
    %mul3A_2 = arith.muli %add3A, %mul3A_1 : i32
    %scan3A = arith.constant 0 : i32
    %scan3A_3 = arith.constant 80 : i32
    %scan3A_4 = arith.addi %scan3A, %scan3A_3 : i32
    %scan3A_5 = arith.constant 1 : i32
    scf.for %scan3A_7 = %scan3A to %scan3A_4 step %scan3A_5  : i32 {
      %mul3A_8 = arith.constant 1 : i32
      %mul3A_9 = arith.muli %scan3A_7, %mul3A_8 : i32
      %add3A_10 = arith.constant 0 : i32
      %add3A_11 = arith.addi %add3A_10, %mul3A_9 : i32
      %mul3A_12 = arith.constant 128 : i32
      %mul3A_13 = arith.muli %add3A_11, %mul3A_12 : i32
      %add3A_14 = arith.addi %mul3A_2, %mul3A_13 : i32
      %multiple_of3A = tpu.assume_multiple %add3A_14, 128 : i32
      "tpu.region"() ({
        %run_scoped3A = tpu.sem_alloc : memref<!tpu.dma_semaphore, #tpu.memory_space<semaphore_mem>>
        %dma_start3A_19 = tpu.memref_slice %arg3[%multiple_of3A] : memref<327680xi32, #tpu.memory_space<hbm>> -> memref<128xi32, #tpu.memory_space<hbm>>
        %dma_start3A_20 = tpu.memref_slice %arg3[%multiple_of3A] : memref<327680xi32, #tpu.memory_space<hbm>> -> memref<128xi32, #tpu.memory_space<hbm>>
        tpu.enqueue_dma source(%dma_start3A_20 : memref<128xi32, #tpu.memory_space<hbm>>) target(%arg5 : memref<128xi32, #tpu.memory_space<vmem>>) target_semaphore(%run_scoped3A : memref<!tpu.dma_semaphore, #tpu.memory_space<semaphore_mem>>)
        %dma_wait3A_21 = tpu.memref_slice %arg3[%multiple_of3A] : memref<327680xi32, #tpu.memory_space<hbm>> -> memref<128xi32, #tpu.memory_space<hbm>>
        %dma_wait3A_22 = tpu.memref_slice %arg3[%multiple_of3A] : memref<327680xi32, #tpu.memory_space<hbm>> -> memref<128xi32, #tpu.memory_space<hbm>>
        tpu.wait_dma2 semaphore(%run_scoped3A : memref<!tpu.dma_semaphore, #tpu.memory_space<semaphore_mem>>) src(%dma_wait3A_22 : memref<128xi32, #tpu.memory_space<hbm>>) dst(%arg5 : memref<128xi32, #tpu.memory_space<vmem>>)
        tpu.yield
      }) : () -> ()
      %dma_start3A = arith.constant 0 : i32
      %dma_start3A_15 = arith.constant 0 : i32
      %dma_start3A_16 = tpu.memref_slice %arg2[%dma_start3A, %dma_start3A_15] : memref<10000x256xf32, #tpu.memory_space<hbm>> -> memref<10000x256xf32, #tpu.memory_space<hbm>>
      tpu.enqueue_indirect_dma source(%dma_start3A_16 : memref<10000x256xf32, #tpu.memory_space<hbm>>) target(%arg6 : memref<128x256xf32, #tpu.memory_space<vmem>>) offsets(%arg5 : memref<128xi32, #tpu.memory_space<vmem>>) semaphore(%arg7 : memref<!tpu.dma_semaphore, #tpu.memory_space<semaphore_mem>>)
      %dma_wait3A = arith.constant 0 : i32
      %dma_wait3A_17 = arith.constant 0 : i32
      %dma_wait3A_18 = tpu.memref_slice %arg2[%dma_wait3A, %dma_wait3A_17] : memref<10000x256xf32, #tpu.memory_space<hbm>> -> memref<10000x256xf32, #tpu.memory_space<hbm>>
      tpu.wait_indirect_dma semaphore(%arg7 : memref<!tpu.dma_semaphore, #tpu.memory_space<semaphore_mem>>) src(%dma_wait3A_18 : memref<10000x256xf32, #tpu.memory_space<hbm>>) dst(%arg6 : memref<128x256xf32, #tpu.memory_space<vmem>>)
      "tpu.region"() ({
        %run_scoped3A = tpu.sem_alloc : memref<!tpu.dma_semaphore, #tpu.memory_space<semaphore_mem>>
        %dma_start3A_19 = arith.constant 0 : i32
        %dma_start3A_20 = tpu.memref_slice %arg4[%multiple_of3A, %dma_start3A_19] : memref<327680x256xf32, #tpu.memory_space<hbm>> -> memref<128x256xf32, #tpu.memory_space<hbm>>
        %dma_start3A_21 = arith.constant 0 : i32
        %dma_start3A_22 = tpu.memref_slice %arg4[%multiple_of3A, %dma_start3A_21] : memref<327680x256xf32, #tpu.memory_space<hbm>> -> memref<128x256xf32, #tpu.memory_space<hbm>>
        tpu.enqueue_dma source(%arg6 : memref<128x256xf32, #tpu.memory_space<vmem>>) target(%dma_start3A_22 : memref<128x256xf32, #tpu.memory_space<hbm>>) target_semaphore(%run_scoped3A : memref<!tpu.dma_semaphore, #tpu.memory_space<semaphore_mem>>)
        %dma_wait3A_23 = arith.constant 0 : i32
        %dma_wait3A_24 = tpu.memref_slice %arg4[%multiple_of3A, %dma_wait3A_23] : memref<327680x256xf32, #tpu.memory_space<hbm>> -> memref<128x256xf32, #tpu.memory_space<hbm>>
        %dma_wait3A_25 = arith.constant 0 : i32
        %dma_wait3A_26 = tpu.memref_slice %arg4[%multiple_of3A, %dma_wait3A_25] : memref<327680x256xf32, #tpu.memory_space<hbm>> -> memref<128x256xf32, #tpu.memory_space<hbm>>
        tpu.wait_dma2 semaphore(%run_scoped3A : memref<!tpu.dma_semaphore, #tpu.memory_space<semaphore_mem>>) src(%arg6 : memref<128x256xf32, #tpu.memory_space<vmem>>) dst(%dma_wait3A_26 : memref<128x256xf32, #tpu.memory_space<hbm>>)
        tpu.yield
      }) : () -> ()
    }
    %scan3A_6 = arith.constant 80 : i32
    return
  }
}

#map = affine_map<(d0, d1) -> (0, 0)>
#map1 = affine_map<(d0, d1) -> (0)>
module attributes {stable_mosaic.version = 14 : i64} {
  func.func @_gather_body(%arg0: i32, %arg1: i32, %arg2: memref<10000x256xf32, #tpu.memory_space<hbm>>, %arg3: memref<327680xi32, #tpu.memory_space<hbm>>, %arg4: memref<327680x256xf32, #tpu.memory_space<hbm>>, %arg5: memref<128xi32, #tpu.memory_space<vmem>>, %arg6: memref<128x256xf32, #tpu.memory_space<vmem>>, %arg7: memref<!tpu.dma_semaphore, #tpu.memory_space<semaphore_mem>>) attributes {dimension_semantics = [#tpu.dimension_semantics<core_parallel>, #tpu.dimension_semantics<subcore_parallel>], iteration_bounds = array<i64: 2, 16>, scalar_prefetch = 0 : i64, scratch_operands = 3 : i64, tpu.core_type = #tpu.core_type<sc_vector_subcore>, window_params = [{transform_indices = #map}, {transform_indices = #map1}, {transform_indices = #map}]} {
    %mul3A = arith.constant 2 : i32
    %mul3A_0 = arith.muli %arg1, %mul3A : i32
    %add3A = arith.addi %mul3A_0, %arg0 : i32
    %mul3A_1 = arith.constant 10240 : i32
    %mul3A_2 = arith.muli %add3A, %mul3A_1 : i32
    %scan3A = arith.constant 0 : i32
    %scan3A_3 = arith.constant 80 : i32
    %scan3A_4 = arith.addi %scan3A, %scan3A_3 : i32
    %scan3A_5 = arith.constant 1 : i32
    scf.for %scan3A_7 = %scan3A to %scan3A_4 step %scan3A_5  : i32 {
      %mul3A_8 = arith.constant 1 : i32
      %mul3A_9 = arith.muli %scan3A_7, %mul3A_8 : i32
      %add3A_10 = arith.constant 0 : i32
      %add3A_11 = arith.addi %add3A_10, %mul3A_9 : i32
      %mul3A_12 = arith.constant 128 : i32
      %mul3A_13 = arith.muli %add3A_11, %mul3A_12 : i32
      %add3A_14 = arith.addi %mul3A_2, %mul3A_13 : i32
      %multiple_of3A = tpu.assume_multiple %add3A_14, 128 : i32
      "tpu.region"() ({
        %run_scoped3A = tpu.sem_alloc : memref<!tpu.dma_semaphore, #tpu.memory_space<semaphore_mem>>
        %dma_start3A_19 = tpu.memref_slice %arg3[%multiple_of3A] : memref<327680xi32, #tpu.memory_space<hbm>> -> memref<128xi32, #tpu.memory_space<hbm>>
        %dma_start3A_20 = tpu.memref_slice %arg3[%multiple_of3A] : memref<327680xi32, #tpu.memory_space<hbm>> -> memref<128xi32, #tpu.memory_space<hbm>>
        tpu.enqueue_dma source(%dma_start3A_20 : memref<128xi32, #tpu.memory_space<hbm>>) target(%arg5 : memref<128xi32, #tpu.memory_space<vmem>>) target_semaphore(%run_scoped3A : memref<!tpu.dma_semaphore, #tpu.memory_space<semaphore_mem>>)
        %dma_wait3A_21 = tpu.memref_slice %arg3[%multiple_of3A] : memref<327680xi32, #tpu.memory_space<hbm>> -> memref<128xi32, #tpu.memory_space<hbm>>
        %dma_wait3A_22 = tpu.memref_slice %arg3[%multiple_of3A] : memref<327680xi32, #tpu.memory_space<hbm>> -> memref<128xi32, #tpu.memory_space<hbm>>
        tpu.wait_dma2 semaphore(%run_scoped3A : memref<!tpu.dma_semaphore, #tpu.memory_space<semaphore_mem>>) src(%dma_wait3A_22 : memref<128xi32, #tpu.memory_space<hbm>>) dst(%arg5 : memref<128xi32, #tpu.memory_space<vmem>>)
        tpu.yield
      }) : () -> ()
      %dma_start3A = arith.constant 0 : i32
      %dma_start3A_15 = arith.constant 0 : i32
      %dma_start3A_16 = tpu.memref_slice %arg2[%dma_start3A, %dma_start3A_15] : memref<10000x256xf32, #tpu.memory_space<hbm>> -> memref<10000x256xf32, #tpu.memory_space<hbm>>
      tpu.enqueue_indirect_dma source(%dma_start3A_16 : memref<10000x256xf32, #tpu.memory_space<hbm>>) target(%arg6 : memref<128x256xf32, #tpu.memory_space<vmem>>) offsets(%arg5 : memref<128xi32, #tpu.memory_space<vmem>>) semaphore(%arg7 : memref<!tpu.dma_semaphore, #tpu.memory_space<semaphore_mem>>)
      %dma_wait3A = arith.constant 0 : i32
      %dma_wait3A_17 = arith.constant 0 : i32
      %dma_wait3A_18 = tpu.memref_slice %arg2[%dma_wait3A, %dma_wait3A_17] : memref<10000x256xf32, #tpu.memory_space<hbm>> -> memref<10000x256xf32, #tpu.memory_space<hbm>>
      tpu.wait_indirect_dma semaphore(%arg7 : memref<!tpu.dma_semaphore, #tpu.memory_space<semaphore_mem>>) src(%dma_wait3A_18 : memref<10000x256xf32, #tpu.memory_space<hbm>>) dst(%arg6 : memref<128x256xf32, #tpu.memory_space<vmem>>)
      "tpu.region"() ({
        %run_scoped3A = tpu.sem_alloc : memref<!tpu.dma_semaphore, #tpu.memory_space<semaphore_mem>>
        %dma_start3A_19 = arith.constant 0 : i32
        %dma_start3A_20 = tpu.memref_slice %arg4[%multiple_of3A, %dma_start3A_19] : memref<327680x256xf32, #tpu.memory_space<hbm>> -> memref<128x256xf32, #tpu.memory_space<hbm>>
        %dma_start3A_21 = arith.constant 0 : i32
        %dma_start3A_22 = tpu.memref_slice %arg4[%multiple_of3A, %dma_start3A_21] : memref<327680x256xf32, #tpu.memory_space<hbm>> -> memref<128x256xf32, #tpu.memory_space<hbm>>
        tpu.enqueue_dma source(%arg6 : memref<128x256xf32, #tpu.memory_space<vmem>>) target(%dma_start3A_22 : memref<128x256xf32, #tpu.memory_space<hbm>>) target_semaphore(%run_scoped3A : memref<!tpu.dma_semaphore, #tpu.memory_space<semaphore_mem>>)
        %dma_wait3A_23 = arith.constant 0 : i32
        %dma_wait3A_24 = tpu.memref_slice %arg4[%multiple_of3A, %dma_wait3A_23] : memref<327680x256xf32, #tpu.memory_space<hbm>> -> memref<128x256xf32, #tpu.memory_space<hbm>>
        %dma_wait3A_25 = arith.constant 0 : i32
        %dma_wait3A_26 = tpu.memref_slice %arg4[%multiple_of3A, %dma_wait3A_25] : memref<327680x256xf32, #tpu.memory_space<hbm>> -> memref<128x256xf32, #tpu.memory_space<hbm>>
        tpu.wait_dma2 semaphore(%run_scoped3A : memref<!tpu.dma_semaphore, #tpu.memory_space<semaphore_mem>>) src(%arg6 : memref<128x256xf32, #tpu.memory_space<vmem>>) dst(%dma_wait3A_26 : memref<128x256xf32, #tpu.memory_space<hbm>>)
        tpu.yield
      }) : () -> ()
    }
    %scan3A_6 = arith.constant 80 : i32
    return
  }
}

module attributes {stable_mosaic.version = 14 : i64} {
  func.func @_input_body(%arg0: i32, %arg1: memref<1000x128xf32, #tpu.memory_space<vmem>>, %arg2: memref<1000x1xi32, #tpu.memory_space<vmem>>, %arg3: memref<256x32xf32, #tpu.memory_space<vmem>>, %arg4: memref<128x64xf32, #tpu.memory_space<vmem>>, %arg5: memref<32x64xf32, #tpu.memory_space<vmem>>, %arg6: memref<1x64xf32, #tpu.memory_space<vmem>>, %arg7: memref<32x64xf32, #tpu.memory_space<vmem>>, %arg8: memref<1000x64xf32, #tpu.memory_space<vmem>>, %arg9: memref<1000x64xf32, #tpu.memory_space<vmem>>) attributes {dimension_semantics = [#tpu.dimension_semantics<arbitrary>], iteration_bounds = array<i64: 10>, scalar_prefetch = 0 : i64, scratch_operands = 0 : i64, tpu.core_type = #tpu.core_type<tc>, window_params = [{transform_indices = @transform_0, window_bounds = array<i64: 1000, 128>}, {transform_indices = @transform_1, window_bounds = array<i64: 1000, 1>}, {pipeline_mode = #tpu.pipeline_mode<synchronous>, transform_indices = @transform_2, window_bounds = array<i64: 256, 32>}, {pipeline_mode = #tpu.pipeline_mode<synchronous>, transform_indices = @transform_3, window_bounds = array<i64: 128, 64>}, {pipeline_mode = #tpu.pipeline_mode<synchronous>, transform_indices = @transform_4, window_bounds = array<i64: 32, 64>}, {pipeline_mode = #tpu.pipeline_mode<synchronous>, transform_indices = @transform_5, window_bounds = array<i64: 1, 64>}, {pipeline_mode = #tpu.pipeline_mode<synchronous>, transform_indices = @transform_6, window_bounds = array<i64: 32, 64>}, {transform_indices = @transform_7, window_bounds = array<i64: 1000, 64>}, {transform_indices = @transform_8, window_bounds = array<i64: 1000, 64>}]} {
    %get3A = arith.constant 0 : index
    %get3A_0 = arith.constant 0 : index
    %get3A_1 = vector.load %arg3[%get3A, %get3A_0] : memref<256x32xf32, #tpu.memory_space<vmem>>, vector<256x32xf32>
    %get3A_2 = arith.constant 0 : index
    %get3A_3 = arith.constant 0 : index
    %get3A_4 = vector.load %arg5[%get3A_2, %get3A_3] : memref<32x64xf32, #tpu.memory_space<vmem>>, vector<32x64xf32>
    %dot_general3A = arith.constant dense<0.000000e+00> : vector<256x64xf32>
    %dot_general3A_5 = tpu.matmul %get3A_1, %get3A_4, %dot_general3A {dimension_numbers = #tpu.dot_dimension_numbers<[1], [0], [0], [1], [0, 0, 1, 1], [], []>, transpose_lhs_hint = false} : vector<256x32xf32>, vector<32x64xf32>, vector<256x64xf32> -> vector<256x64xf32>
    %get3A_6 = arith.constant 0 : index
    %get3A_7 = arith.constant 0 : index
    %get3A_8 = vector.load %arg3[%get3A_6, %get3A_7] : memref<256x32xf32, #tpu.memory_space<vmem>>, vector<256x32xf32>
    %get3A_9 = arith.constant 0 : index
    %get3A_10 = arith.constant 0 : index
    %get3A_11 = vector.load %arg7[%get3A_9, %get3A_10] : memref<32x64xf32, #tpu.memory_space<vmem>>, vector<32x64xf32>
    %dot_general3A_12 = arith.constant dense<0.000000e+00> : vector<256x64xf32>
    %dot_general3A_13 = tpu.matmul %get3A_8, %get3A_11, %dot_general3A_12 {dimension_numbers = #tpu.dot_dimension_numbers<[1], [0], [0], [1], [0, 0, 1, 1], [], []>, transpose_lhs_hint = false} : vector<256x32xf32>, vector<32x64xf32>, vector<256x64xf32> -> vector<256x64xf32>
    %iota3A = tpu.iota {dimensions = array<i32: 1>} : vector<1000x256xi32>
    %get3A_14 = arith.constant 0 : index
    %get3A_15 = arith.constant 0 : index
    %get3A_16 = vector.load %arg2[%get3A_14, %get3A_15] : memref<1000x1xi32, #tpu.memory_space<vmem>>, vector<1000x1xi32>
    %eq3A = vector.broadcast %get3A_16 : vector<1000x1xi32> to vector<1000x256xi32>
    %eq3A_17 = arith.cmpi eq, %eq3A, %iota3A : vector<1000x256xi32>
    %convert_element_type3A = arith.extui %eq3A_17 : vector<1000x256xi1> to vector<1000x256xi32>
    %convert_element_type3A_18 = arith.sitofp %convert_element_type3A : vector<1000x256xi32> to vector<1000x256xf32>
    %dot_general3A_19 = arith.constant dense<0.000000e+00> : vector<1000x64xf32>
    %dot_general3A_20 = tpu.matmul %convert_element_type3A_18, %dot_general3A_5, %dot_general3A_19 {dimension_numbers = #tpu.dot_dimension_numbers<[1], [0], [0], [1], [0, 0, 1, 1], [], []>, transpose_lhs_hint = false} : vector<1000x256xf32>, vector<256x64xf32>, vector<1000x64xf32> -> vector<1000x64xf32>
    %dot_general3A_21 = arith.constant dense<0.000000e+00> : vector<1000x64xf32>
    %dot_general3A_22 = tpu.matmul %convert_element_type3A_18, %dot_general3A_13, %dot_general3A_21 {dimension_numbers = #tpu.dot_dimension_numbers<[1], [0], [0], [1], [0, 0, 1, 1], [], []>, transpose_lhs_hint = false} : vector<1000x256xf32>, vector<256x64xf32>, vector<1000x64xf32> -> vector<1000x64xf32>
    %swap3A = arith.constant 0 : index
    %swap3A_23 = arith.constant 0 : index
    %swap3A_24 = vector.load %arg9[%swap3A, %swap3A_23] : memref<1000x64xf32, #tpu.memory_space<vmem>>, vector<1000x64xf32>
    tpu.vector_store %arg9[%swap3A, %swap3A_23], %dot_general3A_22 {strides = array<i32>} : memref<1000x64xf32, #tpu.memory_space<vmem>>, vector<1000x64xf32>,
    %get3A_25 = arith.constant 0 : index
    %get3A_26 = arith.constant 0 : index
    %get3A_27 = vector.load %arg1[%get3A_25, %get3A_26] : memref<1000x128xf32, #tpu.memory_space<vmem>>, vector<1000x128xf32>
    %get3A_28 = arith.constant 0 : index
    %get3A_29 = arith.constant 0 : index
    %get3A_30 = vector.load %arg4[%get3A_28, %get3A_29] : memref<128x64xf32, #tpu.memory_space<vmem>>, vector<128x64xf32>
    %dot_general3A_31 = arith.constant dense<0.000000e+00> : vector<1000x64xf32>
    %dot_general3A_32 = tpu.matmul %get3A_27, %get3A_30, %dot_general3A_31 {dimension_numbers = #tpu.dot_dimension_numbers<[1], [0], [0], [1], [0, 0, 1, 1], [], []>, transpose_lhs_hint = false} : vector<1000x128xf32>, vector<128x64xf32>, vector<1000x64xf32> -> vector<1000x64xf32>
    %add3A = arith.addf %dot_general3A_32, %dot_general3A_20 : vector<1000x64xf32>
    %get3A_33 = arith.constant 0 : index
    %get3A_34 = arith.constant 0 : index
    %get3A_35 = vector.load %arg6[%get3A_33, %get3A_34] : memref<1x64xf32, #tpu.memory_space<vmem>>, vector<1x64xf32>
    %add3A_36 = vector.broadcast %get3A_35 : vector<1x64xf32> to vector<1000x64xf32>
    %add3A_37 = arith.addf %add3A, %add3A_36 : vector<1000x64xf32>
    %max3A = arith.constant 0.000000e+00 : f32
    %max3A_38 = vector.broadcast %max3A : f32 to vector<1000x64xf32>
    %max3A_39 = arith.maximumf %add3A_37, %max3A_38 : vector<1000x64xf32>
    %swap3A_40 = arith.constant 0 : index
    %swap3A_41 = arith.constant 0 : index
    %swap3A_42 = vector.load %arg8[%swap3A_40, %swap3A_41] : memref<1000x64xf32, #tpu.memory_space<vmem>>, vector<1000x64xf32>
    tpu.vector_store %arg8[%swap3A_40, %swap3A_41], %max3A_39 {strides = array<i32>} : memref<1000x64xf32, #tpu.memory_space<vmem>>, vector<1000x64xf32>,
    return
  }
  func.func @transform_0(%arg0: i32) -> (i32, i32) {
    %c0_i32 = arith.constant 0 : i32
    %c0_i32_0 = arith.constant 0 : i32
    return %arg0, %c0_i32 : i32, i32
  }
  func.func @transform_1(%arg0: i32) -> (i32, i32) {
    %c0_i32 = arith.constant 0 : i32
    %c0_i32_0 = arith.constant 0 : i32
    return %arg0, %c0_i32 : i32, i32
  }
  func.func @transform_2(%arg0: i32) -> (i32, i32) {
    %c0_i32 = arith.constant 0 : i32
    %c0_i32_0 = arith.constant 0 : i32
    %c0_i32_1 = arith.constant 0 : i32
    return %c0_i32, %c0_i32_0 : i32, i32
  }
  func.func @transform_3(%arg0: i32) -> (i32, i32) {
    %c0_i32 = arith.constant 0 : i32
    %c0_i32_0 = arith.constant 0 : i32
    %c0_i32_1 = arith.constant 0 : i32
    return %c0_i32, %c0_i32_0 : i32, i32
  }
  func.func @transform_4(%arg0: i32) -> (i32, i32) {
    %c0_i32 = arith.constant 0 : i32
    %c0_i32_0 = arith.constant 0 : i32
    %c0_i32_1 = arith.constant 0 : i32
    return %c0_i32, %c0_i32_0 : i32, i32
  }
  func.func @transform_5(%arg0: i32) -> (i32, i32) {
    %c0_i32 = arith.constant 0 : i32
    %c0_i32_0 = arith.constant 0 : i32
    %c0_i32_1 = arith.constant 0 : i32
    return %c0_i32, %c0_i32_0 : i32, i32
  }
  func.func @transform_6(%arg0: i32) -> (i32, i32) {
    %c0_i32 = arith.constant 0 : i32
    %c0_i32_0 = arith.constant 0 : i32
    %c0_i32_1 = arith.constant 0 : i32
    return %c0_i32, %c0_i32_0 : i32, i32
  }
  func.func @transform_7(%arg0: i32) -> (i32, i32) {
    %c0_i32 = arith.constant 0 : i32
    %c0_i32_0 = arith.constant 0 : i32
    return %arg0, %c0_i32 : i32, i32
  }
  func.func @transform_8(%arg0: i32) -> (i32, i32) {
    %c0_i32 = arith.constant 0 : i32
    %c0_i32_0 = arith.constant 0 : i32
    return %arg0, %c0_i32 : i32, i32
  }
}

module attributes {stable_mosaic.version = 14 : i64} {
  func.func @_msg_body(%arg0: i32, %arg1: memref<2048x256xf32, #tpu.memory_space<vmem>>, %arg2: memref<2048x1xi32, #tpu.memory_space<vmem>>, %arg3: memref<64x256xf32, #tpu.memory_space<vmem>>, %arg4: memref<256x4xf32, #tpu.memory_space<vmem>>, %arg5: memref<2048x64xf32, #tpu.memory_space<vmem>>) attributes {dimension_semantics = [#tpu.dimension_semantics<arbitrary>], iteration_bounds = array<i64: 160>, scalar_prefetch = 0 : i64, scratch_operands = 0 : i64, tpu.core_type = #tpu.core_type<tc>, window_params = [{transform_indices = @transform_0, window_bounds = array<i64: 2048, 256>}, {transform_indices = @transform_1, window_bounds = array<i64: 2048, 1>}, {pipeline_mode = #tpu.pipeline_mode<synchronous>, transform_indices = @transform_2, window_bounds = array<i64: 64, 256>}, {pipeline_mode = #tpu.pipeline_mode<synchronous>, transform_indices = @transform_3, window_bounds = array<i64: 256, 4>}, {transform_indices = @transform_4, window_bounds = array<i64: 2048, 64>}]} {
    %get3A = arith.constant 0 : index
    %get3A_0 = arith.constant 0 : index
    %get3A_1 = vector.load %arg1[%get3A, %get3A_0] : memref<2048x256xf32, #tpu.memory_space<vmem>>, vector<2048x64xf32>
    %get3A_2 = arith.constant 0 : index
    %get3A_3 = arith.constant 0 : index
    %get3A_4 = vector.load %arg3[%get3A_2, %get3A_3] : memref<64x256xf32, #tpu.memory_space<vmem>>, vector<64x256xf32>
    %dot_general3A = arith.constant dense<0.000000e+00> : vector<2048x256xf32>
    %dot_general3A_5 = tpu.matmul %get3A_1, %get3A_4, %dot_general3A {dimension_numbers = #tpu.dot_dimension_numbers<[1], [0], [0], [1], [0, 0, 1, 1], [], []>, transpose_lhs_hint = false} : vector<2048x64xf32>, vector<64x256xf32>, vector<2048x256xf32> -> vector<2048x256xf32>
    %iota3A = tpu.iota {dimensions = array<i32: 1>} : vector<2048x256xi32>
    %get3A_6 = arith.constant 0 : index
    %get3A_7 = arith.constant 0 : index
    %get3A_8 = vector.load %arg2[%get3A_6, %get3A_7] : memref<2048x1xi32, #tpu.memory_space<vmem>>, vector<2048x1xi32>
    %eq3A = vector.broadcast %get3A_8 : vector<2048x1xi32> to vector<2048x256xi32>
    %eq3A_9 = arith.cmpi eq, %eq3A, %iota3A : vector<2048x256xi32>
    %convert_element_type3A = arith.extui %eq3A_9 : vector<2048x256xi1> to vector<2048x256xi32>
    %convert_element_type3A_10 = arith.sitofp %convert_element_type3A : vector<2048x256xi32> to vector<2048x256xf32>
    %get3A_11 = arith.constant 0 : index
    %get3A_12 = arith.constant 0 : index
    %get3A_13 = vector.load %arg4[%get3A_11, %get3A_12] : memref<256x4xf32, #tpu.memory_space<vmem>>, vector<256x4xf32>
    %dot_general3A_14 = arith.constant dense<0.000000e+00> : vector<2048x4xf32>
    %dot_general3A_15 = tpu.matmul %convert_element_type3A_10, %get3A_13, %dot_general3A_14 {dimension_numbers = #tpu.dot_dimension_numbers<[1], [0], [0], [1], [0, 0, 1, 1], [], []>, transpose_lhs_hint = false} : vector<2048x256xf32>, vector<256x4xf32>, vector<2048x4xf32> -> vector<2048x4xf32>
    %slice3A = vector.extract_strided_slice %dot_general3A_15 {offsets = [0, 0], sizes = [2048, 1], strides = [1, 1]} : vector<2048x4xf32> to vector<2048x1xf32>
    %slice3A_16 = vector.extract_strided_slice %dot_general3A_5 {offsets = [0, 0], sizes = [2048, 64], strides = [1, 1]} : vector<2048x256xf32> to vector<2048x64xf32>
    %mul3A = vector.broadcast %slice3A : vector<2048x1xf32> to vector<2048x64xf32>
    %mul3A_17 = arith.mulf %mul3A, %slice3A_16 : vector<2048x64xf32>
    %slice3A_18 = vector.extract_strided_slice %dot_general3A_15 {offsets = [0, 1], sizes = [2048, 1], strides = [1, 1]} : vector<2048x4xf32> to vector<2048x1xf32>
    %slice3A_19 = vector.extract_strided_slice %dot_general3A_5 {offsets = [0, 64], sizes = [2048, 64], strides = [1, 1]} : vector<2048x256xf32> to vector<2048x64xf32>
    %mul3A_20 = vector.broadcast %slice3A_18 : vector<2048x1xf32> to vector<2048x64xf32>
    %mul3A_21 = arith.mulf %mul3A_20, %slice3A_19 : vector<2048x64xf32>
    %add3A = arith.addf %mul3A_17, %mul3A_21 : vector<2048x64xf32>
    %slice3A_22 = vector.extract_strided_slice %dot_general3A_15 {offsets = [0, 2], sizes = [2048, 1], strides = [1, 1]} : vector<2048x4xf32> to vector<2048x1xf32>
    %slice3A_23 = vector.extract_strided_slice %dot_general3A_5 {offsets = [0, 128], sizes = [2048, 64], strides = [1, 1]} : vector<2048x256xf32> to vector<2048x64xf32>
    %mul3A_24 = vector.broadcast %slice3A_22 : vector<2048x1xf32> to vector<2048x64xf32>
    %mul3A_25 = arith.mulf %mul3A_24, %slice3A_23 : vector<2048x64xf32>
    %add3A_26 = arith.addf %add3A, %mul3A_25 : vector<2048x64xf32>
    %slice3A_27 = vector.extract_strided_slice %dot_general3A_15 {offsets = [0, 3], sizes = [2048, 1], strides = [1, 1]} : vector<2048x4xf32> to vector<2048x1xf32>
    %slice3A_28 = vector.extract_strided_slice %dot_general3A_5 {offsets = [0, 192], sizes = [2048, 64], strides = [1, 1]} : vector<2048x256xf32> to vector<2048x64xf32>
    %mul3A_29 = vector.broadcast %slice3A_27 : vector<2048x1xf32> to vector<2048x64xf32>
    %mul3A_30 = arith.mulf %mul3A_29, %slice3A_28 : vector<2048x64xf32>
    %add3A_31 = arith.addf %add3A_26, %mul3A_30 : vector<2048x64xf32>
    %swap3A = arith.constant 0 : index
    %swap3A_32 = arith.constant 0 : index
    %swap3A_33 = vector.load %arg5[%swap3A, %swap3A_32] : memref<2048x64xf32, #tpu.memory_space<vmem>>, vector<2048x64xf32>
    tpu.vector_store %arg5[%swap3A, %swap3A_32], %add3A_31 {strides = array<i32>} : memref<2048x64xf32, #tpu.memory_space<vmem>>, vector<2048x64xf32>,
    return
  }
  func.func @transform_0(%arg0: i32) -> (i32, i32) {
    %c0_i32 = arith.constant 0 : i32
    %c0_i32_0 = arith.constant 0 : i32
    return %arg0, %c0_i32 : i32, i32
  }
  func.func @transform_1(%arg0: i32) -> (i32, i32) {
    %c0_i32 = arith.constant 0 : i32
    %c0_i32_0 = arith.constant 0 : i32
    return %arg0, %c0_i32 : i32, i32
  }
  func.func @transform_2(%arg0: i32) -> (i32, i32) {
    %c0_i32 = arith.constant 0 : i32
    %c0_i32_0 = arith.constant 0 : i32
    %c0_i32_1 = arith.constant 0 : i32
    return %c0_i32, %c0_i32_0 : i32, i32
  }
  func.func @transform_3(%arg0: i32) -> (i32, i32) {
    %c0_i32 = arith.constant 0 : i32
    %c0_i32_0 = arith.constant 0 : i32
    %c0_i32_1 = arith.constant 0 : i32
    return %c0_i32, %c0_i32_0 : i32, i32
  }
  func.func @transform_4(%arg0: i32) -> (i32, i32) {
    %c0_i32 = arith.constant 0 : i32
    %c0_i32_0 = arith.constant 0 : i32
    return %arg0, %c0_i32 : i32, i32
  }
}

module attributes {stable_mosaic.version = 14 : i64} {
  func.func @_tc_scatter_body(%arg0: i32, %arg1: memref<163840xi32, #tpu.memory_space<smem>>, %arg2: memref<2048x64xf32, #tpu.memory_space<vmem>>, %arg3: memref<10240x64xf32, #tpu.memory_space<vmem>>, %arg4: memref<10240x64xf32, #tpu.memory_space<vmem>>) attributes {dimension_semantics = [#tpu.dimension_semantics<arbitrary>], iteration_bounds = array<i64: 80>, scalar_prefetch = 1 : i64, scratch_operands = 1 : i64, tpu.core_type = #tpu.core_type<tc>, window_params = [{transform_indices = @transform_0, window_bounds = array<i64: 2048, 64>}, {pipeline_mode = #tpu.pipeline_mode<synchronous>, transform_indices = @transform_1, window_bounds = array<i64: 10240, 64>}]} {
    %eq3A = arith.constant 0 : i32
    %eq3A_0 = arith.cmpi eq, %arg0, %eq3A : i32
    %convert_element_type3A = arith.extui %eq3A_0 : i1 to i32
    %cond3A = arith.constant 0 : i32
    %cond3A_1 = arith.cmpi ne, %convert_element_type3A, %cond3A : i32
    scf.if %cond3A_1 {
      %broadcast_in_dim3A = arith.constant 0.000000e+00 : f32
      %broadcast_in_dim3A_12 = vector.broadcast %broadcast_in_dim3A : f32 to vector<10240x64xf32>
      %swap3A = arith.constant 0 : index
      %swap3A_13 = arith.constant 0 : index
      %swap3A_14 = vector.load %arg4[%swap3A, %swap3A_13] : memref<10240x64xf32, #tpu.memory_space<vmem>>, vector<10240x64xf32>
      tpu.vector_store %arg4[%swap3A, %swap3A_13], %broadcast_in_dim3A_12 {strides = array<i32>} : memref<10240x64xf32, #tpu.memory_space<vmem>>, vector<10240x64xf32>,
    } else {
    }
    %mul3A = arith.constant 2048 : i32
    %mul3A_2 = arith.muli %arg0, %mul3A : i32
    %scan3A = arith.constant 0 : i32
    %scan3A_3 = arith.constant 2048 : i32
    %scan3A_4 = arith.addi %scan3A, %scan3A_3 : i32
    %scan3A_5 = arith.constant 1 : i32
    scf.for %scan3A_12 = %scan3A to %scan3A_4 step %scan3A_5  : i32 {
      %add3A = arith.addi %mul3A_2, %scan3A_12 : i32
      %get3A = arith.index_cast %add3A : i32 to index
      %get3A_13 = memref.load %arg1[%get3A] : memref<163840xi32, #tpu.memory_space<smem>>
      %get3A_14 = arith.index_cast %get3A_13 : i32 to index
      %get3A_15 = arith.constant 0 : index
      %get3A_16 = vector.load %arg4[%get3A_14, %get3A_15] : memref<10240x64xf32, #tpu.memory_space<vmem>>, vector<1x64xf32>
      %get3A_17 = arith.index_cast %scan3A_12 : i32 to index
      %get3A_18 = arith.constant 0 : index
      %get3A_19 = vector.load %arg2[%get3A_17, %get3A_18] : memref<2048x64xf32, #tpu.memory_space<vmem>>, vector<1x64xf32>
      %add3A_20 = arith.addf %get3A_16, %get3A_19 : vector<1x64xf32>
      %swap3A = arith.index_cast %get3A_13 : i32 to index
      %swap3A_21 = arith.constant 0 : index
      %swap3A_22 = vector.load %arg4[%swap3A, %swap3A_21] : memref<10240x64xf32, #tpu.memory_space<vmem>>, vector<1x64xf32>
      tpu.vector_store %arg4[%swap3A, %swap3A_21], %add3A_20 {strides = array<i32>} : memref<10240x64xf32, #tpu.memory_space<vmem>>, vector<1x64xf32>,
    }
    %scan3A_6 = arith.constant 2048 : i32
    %eq3A_7 = arith.constant 79 : i32
    %eq3A_8 = arith.cmpi eq, %arg0, %eq3A_7 : i32
    %convert_element_type3A_9 = arith.extui %eq3A_8 : i1 to i32
    %cond3A_10 = arith.constant 0 : i32
    %cond3A_11 = arith.cmpi ne, %convert_element_type3A_9, %cond3A_10 : i32
    scf.if %cond3A_11 {
      %get3A = arith.constant 0 : index
      %get3A_12 = arith.constant 0 : index
      %get3A_13 = vector.load %arg4[%get3A, %get3A_12] : memref<10240x64xf32, #tpu.memory_space<vmem>>, vector<10240x64xf32>
      %swap3A = arith.constant 0 : index
      %swap3A_14 = arith.constant 0 : index
      %swap3A_15 = vector.load %arg3[%swap3A, %swap3A_14] : memref<10240x64xf32, #tpu.memory_space<vmem>>, vector<10240x64xf32>
      tpu.vector_store %arg3[%swap3A, %swap3A_14], %get3A_13 {strides = array<i32>} : memref<10240x64xf32, #tpu.memory_space<vmem>>, vector<10240x64xf32>,
    } else {
    }
    return
  }
  func.func @transform_0(%arg0: i32, %arg1: memref<163840xi32, #tpu.memory_space<smem>>) -> (i32, i32) {
    %c0_i32 = arith.constant 0 : i32
    %c0_i32_0 = arith.constant 0 : i32
    return %arg0, %c0_i32 : i32, i32
  }
  func.func @transform_1(%arg0: i32, %arg1: memref<163840xi32, #tpu.memory_space<smem>>) -> (i32, i32) {
    %c0_i32 = arith.constant 0 : i32
    %c0_i32_0 = arith.constant 0 : i32
    %c0_i32_1 = arith.constant 0 : i32
    return %c0_i32, %c0_i32_0 : i32, i32
  }
}

module attributes {stable_mosaic.version = 14 : i64} {
  func.func @_combine_body(%arg0: i32, %arg1: memref<1000x64xf32, #tpu.memory_space<vmem>>, %arg2: memref<1000x64xf32, #tpu.memory_space<vmem>>, %arg3: memref<1000x64xf32, #tpu.memory_space<vmem>>, %arg4: memref<64x64xf32, #tpu.memory_space<vmem>>, %arg5: memref<1x64xf32, #tpu.memory_space<vmem>>, %arg6: memref<1000x64xf32, #tpu.memory_space<vmem>>) attributes {dimension_semantics = [#tpu.dimension_semantics<arbitrary>], iteration_bounds = array<i64: 10>, scalar_prefetch = 0 : i64, scratch_operands = 0 : i64, tpu.core_type = #tpu.core_type<tc>, window_params = [{transform_indices = @transform_0, window_bounds = array<i64: 1000, 64>}, {transform_indices = @transform_1, window_bounds = array<i64: 1000, 64>}, {transform_indices = @transform_2, window_bounds = array<i64: 1000, 64>}, {pipeline_mode = #tpu.pipeline_mode<synchronous>, transform_indices = @transform_3, window_bounds = array<i64: 64, 64>}, {pipeline_mode = #tpu.pipeline_mode<synchronous>, transform_indices = @transform_4, window_bounds = array<i64: 1, 64>}, {transform_indices = @transform_5, window_bounds = array<i64: 1000, 64>}]} {
    %get3A = arith.constant 0 : index
    %get3A_0 = arith.constant 0 : index
    %get3A_1 = vector.load %arg3[%get3A, %get3A_0] : memref<1000x64xf32, #tpu.memory_space<vmem>>, vector<1000x64xf32>
    %get3A_2 = arith.constant 0 : index
    %get3A_3 = arith.constant 0 : index
    %get3A_4 = vector.load %arg4[%get3A_2, %get3A_3] : memref<64x64xf32, #tpu.memory_space<vmem>>, vector<64x64xf32>
    %dot_general3A = arith.constant dense<0.000000e+00> : vector<1000x64xf32>
    %dot_general3A_5 = tpu.matmul %get3A_1, %get3A_4, %dot_general3A {dimension_numbers = #tpu.dot_dimension_numbers<[1], [0], [0], [1], [0, 0, 1, 1], [], []>, transpose_lhs_hint = false} : vector<1000x64xf32>, vector<64x64xf32>, vector<1000x64xf32> -> vector<1000x64xf32>
    %get3A_6 = arith.constant 0 : index
    %get3A_7 = arith.constant 0 : index
    %get3A_8 = vector.load %arg1[%get3A_6, %get3A_7] : memref<1000x64xf32, #tpu.memory_space<vmem>>, vector<1000x64xf32>
    %get3A_9 = arith.constant 0 : index
    %get3A_10 = arith.constant 0 : index
    %get3A_11 = vector.load %arg2[%get3A_9, %get3A_10] : memref<1000x64xf32, #tpu.memory_space<vmem>>, vector<1000x64xf32>
    %add3A = arith.addf %get3A_8, %get3A_11 : vector<1000x64xf32>
    %add3A_12 = arith.addf %add3A, %dot_general3A_5 : vector<1000x64xf32>
    %get3A_13 = arith.constant 0 : index
    %get3A_14 = arith.constant 0 : index
    %get3A_15 = vector.load %arg5[%get3A_13, %get3A_14] : memref<1x64xf32, #tpu.memory_space<vmem>>, vector<1x64xf32>
    %add3A_16 = vector.broadcast %get3A_15 : vector<1x64xf32> to vector<1000x64xf32>
    %add3A_17 = arith.addf %add3A_12, %add3A_16 : vector<1000x64xf32>
    %max3A = arith.constant 0.000000e+00 : f32
    %max3A_18 = vector.broadcast %max3A : f32 to vector<1000x64xf32>
    %max3A_19 = arith.maximumf %add3A_17, %max3A_18 : vector<1000x64xf32>
    %swap3A = arith.constant 0 : index
    %swap3A_20 = arith.constant 0 : index
    %swap3A_21 = vector.load %arg6[%swap3A, %swap3A_20] : memref<1000x64xf32, #tpu.memory_space<vmem>>, vector<1000x64xf32>
    tpu.vector_store %arg6[%swap3A, %swap3A_20], %max3A_19 {strides = array<i32>} : memref<1000x64xf32, #tpu.memory_space<vmem>>, vector<1000x64xf32>,
    return
  }
  func.func @transform_0(%arg0: i32) -> (i32, i32) {
    %c0_i32 = arith.constant 0 : i32
    %c0_i32_0 = arith.constant 0 : i32
    return %arg0, %c0_i32 : i32, i32
  }
  func.func @transform_1(%arg0: i32) -> (i32, i32) {
    %c0_i32 = arith.constant 0 : i32
    %c0_i32_0 = arith.constant 0 : i32
    return %arg0, %c0_i32 : i32, i32
  }
  func.func @transform_2(%arg0: i32) -> (i32, i32) {
    %c0_i32 = arith.constant 0 : i32
    %c0_i32_0 = arith.constant 0 : i32
    return %arg0, %c0_i32 : i32, i32
  }
  func.func @transform_3(%arg0: i32) -> (i32, i32) {
    %c0_i32 = arith.constant 0 : i32
    %c0_i32_0 = arith.constant 0 : i32
    %c0_i32_1 = arith.constant 0 : i32
    return %c0_i32, %c0_i32_0 : i32, i32
  }
  func.func @transform_4(%arg0: i32) -> (i32, i32) {
    %c0_i32 = arith.constant 0 : i32
    %c0_i32_0 = arith.constant 0 : i32
    %c0_i32_1 = arith.constant 0 : i32
    return %c0_i32, %c0_i32_0 : i32, i32
  }
  func.func @transform_5(%arg0: i32) -> (i32, i32) {
    %c0_i32 = arith.constant 0 : i32
    %c0_i32_0 = arith.constant 0 : i32
    return %arg0, %c0_i32 : i32, i32
  }
}

module attributes {stable_mosaic.version = 14 : i64} {
  func.func @_readout_body(%arg0: memref<10000x64xf32, #tpu.memory_space<vmem>>, %arg1: memref<10000x64xf32, #tpu.memory_space<vmem>>, %arg2: memref<64x64xf32, #tpu.memory_space<vmem>>, %arg3: memref<1x64xf32, #tpu.memory_space<vmem>>, %arg4: memref<1x64xf32, #tpu.memory_space<vmem>>, %arg5: memref<1x1xf32, #tpu.memory_space<vmem>>, %arg6: memref<1x64xf32, #tpu.memory_space<vmem>>, %arg7: memref<1x1xf32, #tpu.memory_space<vmem>>, %arg8: memref<1x1xf32, #tpu.memory_space<vmem>>) attributes {dimension_semantics = [], scalar_prefetch = 0 : i64, scratch_operands = 0 : i64, tpu.core_type = #tpu.core_type<tc>} {
    %get3A = arith.constant 0 : index
    %get3A_0 = arith.constant 0 : index
    %get3A_1 = vector.load %arg0[%get3A, %get3A_0] : memref<10000x64xf32, #tpu.memory_space<vmem>>, vector<10000x64xf32>
    %get3A_2 = arith.constant 0 : index
    %get3A_3 = arith.constant 0 : index
    %get3A_4 = vector.load %arg2[%get3A_2, %get3A_3] : memref<64x64xf32, #tpu.memory_space<vmem>>, vector<64x64xf32>
    %dot_general3A = arith.constant dense<0.000000e+00> : vector<10000x64xf32>
    %dot_general3A_5 = tpu.matmul %get3A_1, %get3A_4, %dot_general3A {dimension_numbers = #tpu.dot_dimension_numbers<[1], [0], [0], [1], [0, 0, 1, 1], [], []>, transpose_lhs_hint = false} : vector<10000x64xf32>, vector<64x64xf32>, vector<10000x64xf32> -> vector<10000x64xf32>
    %get3A_6 = arith.constant 0 : index
    %get3A_7 = arith.constant 0 : index
    %get3A_8 = vector.load %arg1[%get3A_6, %get3A_7] : memref<10000x64xf32, #tpu.memory_space<vmem>>, vector<10000x64xf32>
    %add3A = arith.addf %dot_general3A_5, %get3A_8 : vector<10000x64xf32>
    %get3A_9 = arith.constant 0 : index
    %get3A_10 = arith.constant 0 : index
    %get3A_11 = vector.load %arg3[%get3A_9, %get3A_10] : memref<1x64xf32, #tpu.memory_space<vmem>>, vector<1x64xf32>
    %add3A_12 = vector.broadcast %get3A_11 : vector<1x64xf32> to vector<10000x64xf32>
    %add3A_13 = arith.addf %add3A, %add3A_12 : vector<10000x64xf32>
    %tanh3A = math.tanh %add3A_13 : vector<10000x64xf32>
    %get3A_14 = arith.constant 0 : index
    %get3A_15 = arith.constant 0 : index
    %get3A_16 = vector.load %arg4[%get3A_14, %get3A_15] : memref<1x64xf32, #tpu.memory_space<vmem>>, vector<1x64xf32>
    %mul3A = vector.broadcast %get3A_16 : vector<1x64xf32> to vector<10000x64xf32>
    %mul3A_17 = arith.mulf %tanh3A, %mul3A : vector<10000x64xf32>
    %reduce_sum3A = arith.constant dense<0.000000e+00> : vector<10000xf32>
    %reduce_sum3A_18 = vector.multi_reduction <add>, %mul3A_17, %reduce_sum3A [1] : vector<10000x64xf32> to vector<10000xf32>
    %broadcast_in_dim3A = vector.shape_cast %reduce_sum3A_18 : vector<10000xf32> to vector<10000x1xf32>
    %get3A_19 = arith.constant 0 : index
    %get3A_20 = arith.constant 0 : index
    %get3A_21 = vector.load %arg5[%get3A_19, %get3A_20] : memref<1x1xf32, #tpu.memory_space<vmem>>, vector<1x1xf32>
    %get3A_22 = vector.extract %get3A_21[0, 0] : f32 from vector<1x1xf32>
    %add3A_23 = vector.broadcast %get3A_22 : f32 to vector<10000x1xf32>
    %add3A_24 = arith.addf %broadcast_in_dim3A, %add3A_23 : vector<10000x1xf32>
    %reduce_max3A = vector.shape_cast %add3A_24 : vector<10000x1xf32> to vector<1x10000x1xf32>
    %reduce_max3A_25 = arith.constant dense<0xFF800000> : vector<1xf32>
    %reduce_max3A_26 = vector.multi_reduction <maximumf>, %reduce_max3A, %reduce_max3A_25 [1, 2] : vector<1x10000x1xf32> to vector<1xf32>
    %reduce_max3A_27 = vector.shape_cast %reduce_max3A_26 : vector<1xf32> to vector<1x1x1xf32>
    %reduce_max3A_28 = vector.extract %reduce_max3A_27[0, 0, 0] : f32 from vector<1x1x1xf32>
    %sub3A = vector.broadcast %reduce_max3A_28 : f32 to vector<10000x1xf32>
    %sub3A_29 = arith.subf %add3A_24, %sub3A : vector<10000x1xf32>
    %exp3A = math.exp %sub3A_29 : vector<10000x1xf32>
    %reduce_sum3A_30 = vector.shape_cast %exp3A : vector<10000x1xf32> to vector<1x10000x1xf32>
    %reduce_sum3A_31 = arith.constant dense<0.000000e+00> : vector<1xf32>
    %reduce_sum3A_32 = vector.multi_reduction <add>, %reduce_sum3A_30, %reduce_sum3A_31 [1, 2] : vector<1x10000x1xf32> to vector<1xf32>
    %reduce_sum3A_33 = vector.shape_cast %reduce_sum3A_32 : vector<1xf32> to vector<1x1x1xf32>
    %reduce_sum3A_34 = vector.extract %reduce_sum3A_33[0, 0, 0] : f32 from vector<1x1x1xf32>
    %div3A = vector.broadcast %reduce_sum3A_34 : f32 to vector<10000x1xf32>
    %div3A_35 = arith.divf %exp3A, %div3A : vector<10000x1xf32>
    %mul3A_36 = vector.broadcast %div3A_35 : vector<10000x1xf32> to vector<10000x64xf32>
    %mul3A_37 = arith.mulf %get3A_1, %mul3A_36 : vector<10000x64xf32>
    %reduce_sum3A_38 = arith.constant dense<0.000000e+00> : vector<64xf32>
    %reduce_sum3A_39 = vector.multi_reduction <add>, %mul3A_37, %reduce_sum3A_38 [0] : vector<10000x64xf32> to vector<64xf32>
    %broadcast_in_dim3A_40 = vector.shape_cast %reduce_sum3A_39 : vector<64xf32> to vector<1x64xf32>
    %get3A_41 = arith.constant 0 : index
    %get3A_42 = arith.constant 0 : index
    %get3A_43 = vector.load %arg6[%get3A_41, %get3A_42] : memref<1x64xf32, #tpu.memory_space<vmem>>, vector<1x64xf32>
    %mul3A_44 = arith.mulf %broadcast_in_dim3A_40, %get3A_43 : vector<1x64xf32>
    %reduce_sum3A_45 = vector.shape_cast %mul3A_44 : vector<1x64xf32> to vector<1x1x64xf32>
    %reduce_sum3A_46 = arith.constant dense<0.000000e+00> : vector<1xf32>
    %reduce_sum3A_47 = vector.multi_reduction <add>, %reduce_sum3A_45, %reduce_sum3A_46 [1, 2] : vector<1x1x64xf32> to vector<1xf32>
    %reduce_sum3A_48 = vector.shape_cast %reduce_sum3A_47 : vector<1xf32> to vector<1x1x1xf32>
    %reduce_sum3A_49 = vector.extract %reduce_sum3A_48[0, 0, 0] : f32 from vector<1x1x1xf32>
    %get3A_50 = arith.constant 0 : index
    %get3A_51 = arith.constant 0 : index
    %get3A_52 = vector.load %arg7[%get3A_50, %get3A_51] : memref<1x1xf32, #tpu.memory_space<vmem>>, vector<1x1xf32>
    %get3A_53 = vector.extract %get3A_52[0, 0] : f32 from vector<1x1xf32>
    %add3A_54 = arith.addf %reduce_sum3A_49, %get3A_53 : f32
    %reshape3A = vector.broadcast %add3A_54 : f32 to vector<1x1xf32>
    %swap3A = arith.constant 0 : index
    %swap3A_55 = arith.constant 0 : index
    %swap3A_56 = vector.load %arg8[%swap3A, %swap3A_55] : memref<1x1xf32, #tpu.memory_space<vmem>>, vector<1x1xf32>
    tpu.vector_store %arg8[%swap3A, %swap3A_55], %reshape3A {strides = array<i32>} : memref<1x1xf32, #tpu.memory_space<vmem>>, vector<1x1xf32>,
    return
  }
}

</mosaic_0001>

<sc_bundles>
// kernel: kernel.14.cloned.1.call-start
scs
__scs_entry_jumppad:
0x0: {  	(pc) =	sbr.rel $0x88, $3  }
0x1: {  	(tag) =	ssettag $0x0;
	lr =	simm.s32 $0x1  }
0x2: {  	[smem:$0x3F8C] =	sst lr;
	_ =	strace $0xD0000000  }
0x3: {  	_ = 	snop  }
0x4: {  	_ = 	snop  }
0x5: {  	_ = 	snop  }
0x6: {  	_ = 	snop  }
0x7: {  	_ = 	snop  }
__scs_overlays_trampoline_lowered:
0x8: {  	[smem:$0x3F9B] =	sst s0  }
0x9: {  	[smem:$0x3F9C] =	sst s1  }
0xa: {  	[smem:$0x3F9D] =	sst s2  }
0xb: {  	[smem:$0x3F9E] =	sst s3  }
0xc: {  	[smem:$0x3F9F] =	sst s4  }
0xd: {  	[smem:$0x3FA0] =	sst s5  }
0xe: {  	[smem:$0x3FA1] =	sst s6  }
0xf: {  	[smem:$0x3FA2] =	sst s7  }
0x10: {  	[smem:$0x3FA3] =	sst s8  }
0x11: {  	[smem:$0x3FA4] =	sst s9;
	s0 =	simm.s32 @!p0 $0x0  }
0x12: {  	s1 =	sld [smem:$0x3F8A];
	s0 =	simm.s32 @p0 $0x1  }
0x13: {  	[smem:$0x3FA5] =	sst s0;
	s0 =	simm.s32 @!p1 $0x0  }
0x14: {  	s2 =	sld [smem:$0x3F89];
	s0 =	simm.s32 @p1 $0x1  }
0x15: {  	[smem:$0x3FA6] =	sst s0;
	s0 =	simm.s32 @!p2 $0x0  }
0x16: {  	s3 =	sld [smem:$0x3FDB];
	s0 =	simm.s32 @p2 $0x1  }
0x17: {  	s4 =	simm.s32 $0x1BF5;
	[smem:$0x3FA8] =	sst s0  }
0x18: {  	s0 =	sld [smem:$0x3F8B];
	_ =	swait.ge [sflag:s4], $0x0  }
0x19: {  	s7 =	sld [smem:$0x3F8C]  }
0x1a: {  	s8 =	sadd.s32 $0xFFFFE003, lr  }
0x1b: {  	s9 =	sadd.s32 $0xFFFFFEF7, lr;
	s5 =	simm.s32 $0xFFFFFFFF;
	p2 =	slt.u32 s8, $0xFFFFF086  }
0x1c: {  	p1 =	slt.u32 s9, $0xF7A;
	s5 =	simm.s32 @!p2 $0x0  }
0x1d: {  	s5 =	simm.s32 @p1 $0x1;
	p0 =	seq.s32 s7, s2  }
0x1e: {  	s7 =	smul.u32 @!p0 $0xF7A, s2;
	p2 =	seq.s32 @!p0 s5, $0x0  }
0x1f: {  	s9 =	smul.u32 $0xF7A, s1;
	s8 =	simm.s32 @!p0 $0x1BF5;
	p2 =	por !p2, p0  }
0x20: {  	[sflag:s8] =	ssyncset.s32 @!p0 $0xFFFFF086;
	s6 =	sadd.s32 @!p0 s3, s7;
	s7 =	simm.s32 @!p0 $0x108  }
0x21: {  	s3 =	sadd.s32 s3, s9;
	s6 =	sadd.s32 @!p0 $0x88, s6;
	s7 =	simm.s32 @p2 $0x1082  }
0x22: {  	[simem:s7], [sflag:s8] =	dma.local @!p0 [hbm:s6], $0xF7A  }
0x23: {  	s9 =	sor.u32 $0xD0000000, s2;
	s6 =	simm.s32 $0x108;
	_ =	swait.ge @!p0 [sflag:s8], $0x0  }
0x24: {  	s3 =	sadd.s32 $0x88, s3;
	s6 =	simm.s32 @!p1 $0x1082;
	[sflag:s4] =	ssyncset.s32 $0xFFFFF086  }
0x25: {  	[simem:s6], [sflag:s4] =	dma.local [hbm:s3], $0xF7A  }
0x26: {  	[smem:$0x3F8C] =	sst s1;
	(tag) =	ssettag s2;
	_ =	strace s9  }
0x27: {  	s1 =	sld [smem:$0x3F9C]  }
0x28: {  	s2 =	sld [smem:$0x3F9D]  }
0x29: {  	s4 =	sld [smem:$0x3F9F]  }
0x2a: {  	p0 =	seq.s32 s5, $0x0;
	s5 =	sld [smem:$0x3FA0]  }
0x2b: {  	s6 =	sld [smem:$0x3FA1]  }
0x2c: {  	s7 =	sld [smem:$0x3FA2]  }
0x2d: {  	s3 =	simm.s32 $0x108;
	s8 =	sld [smem:$0x3FA3]  }
0x2e: {  	s3 =	simm.s32 @!p0 $0x1082;
	s9 =	sld [smem:$0x3FA4]  }
0x2f: {  	lr =	sadd.s32 s0, s3;
	s0 =	sld [smem:$0x3F9B]  }
0x30: {  	s3 =	sld [smem:$0x3F9E]  }
0x31: {  	[smem:$0x3FA7] =	sst s10  }
0x32: {  	s10 =	sld [smem:$0x3FA5];
	_ =	sdelay $0x3  }
0x33: {  	p0 =	seq.s32 s10, $0x1;
	s10 =	sld [smem:$0x3FA7];
	_ =	sdelay $0x3  }
0x34: {  	[smem:$0x3FA7] =	sst s10  }
0x35: {  	s10 =	sld [smem:$0x3FA6];
	_ =	sdelay $0x3  }
0x36: {  	p1 =	seq.s32 s10, $0x1;
	s10 =	sld [smem:$0x3FA7];
	_ =	sdelay $0x3  }
0x37: {  	[smem:$0x3FA7] =	sst s10  }
0x38: {  	s10 =	sld [smem:$0x3FA8]  }
0x39: {  	_ = 	snop;
	(pc) =	sbr.ind lr, $3  }
0x3a: {  	_ = 	snop  }
0x3b: {  	_ = 	snop  }
0x3c: {  	p2 =	seq.s32 s10, $0x1;
	s10 =	sld [smem:$0x3FA7]  }
0x3d: {  	_ =	shalt  }
0x3e: {  	_ =	shalt  }
0x3f: {  	_ =	shalt  }
0x40: {  	_ =	shalt  }
0x41: {  	_ =	shalt  }
0x42: {  	_ =	shalt  }
0x43: {  	_ =	shalt  }
0x44: {  	_ =	shalt  }
0x45: {  	_ =	shalt  }
0x46: {  	_ =	shalt  }
0x47: {  	_ =	shalt  }
0x48: {  	_ =	shalt  }
0x49: {  	_ =	shalt  }
0x4a: {  	_ =	shalt  }
0x4b: {  	_ =	shalt  }
0x4c: {  	_ =	shalt  }
0x4d: {  	_ =	shalt  }
0x4e: {  	_ =	shalt  }
0x4f: {  	_ =	shalt  }
0x50: {  	_ =	shalt  }
0x51: {  	_ =	shalt  }
0x52: {  	_ =	shalt  }
0x53: {  	_ =	shalt  }
0x54: {  	_ =	shalt  }
0x55: {  	_ =	shalt  }
0x56: {  	_ =	shalt  }
0x57: {  	_ =	shalt  }
0x58: {  	_ =	shalt  }
0x59: {  	_ =	shalt  }
0x5a: {  	_ =	shalt  }
0x5b: {  	_ =	shalt  }
0x5c: {  	_ =	shalt  }
0x5d: {  	_ =	shalt  }
0x5e: {  	_ =	shalt  }
0x5f: {  	_ =	shalt  }
0x60: {  	_ =	shalt  }
0x61: {  	_ =	shalt  }
0x62: {  	_ =	shalt  }
0x63: {  	_ =	shalt  }
0x64: {  	_ =	shalt  }
0x65: {  	_ =	shalt  }
0x66: {  	_ =	shalt  }
0x67: {  	_ =	shalt  }
0x68: {  	_ =	shalt  }
0x69: {  	_ =	shalt  }
0x6a: {  	_ =	shalt  }
0x6b: {  	_ =	shalt  }
0x6c: {  	_ =	shalt  }
0x6d: {  	_ =	shalt  }
0x6e: {  	_ =	shalt  }
0x6f: {  	_ =	shalt  }
0x70: {  	_ =	shalt  }
0x71: {  	_ =	shalt  }
0x72: {  	_ =	shalt  }
0x73: {  	_ =	shalt  }
0x74: {  	_ =	shalt  }
0x75: {  	_ =	shalt  }
0x76: {  	_ =	shalt  }
0x77: {  	_ =	shalt  }
0x78: {  	_ =	shalt  }
0x79: {  	_ =	shalt  }
0x7a: {  	_ =	shalt  }
0x7b: {  	_ =	shalt  }
0x7c: {  	_ =	shalt  }
0x7d: {  	_ =	shalt  }
0x7e: {  	_ =	shalt  }
0x7f: {  	_ =	shalt  }
0x80: {  	_ =	shalt  }
0x81: {  	_ =	shalt  }
0x82: {  	_ =	shalt  }
0x83: {  	_ =	shalt  }
0x84: {  	_ =	shalt  }
0x85: {  	_ =	shalt  }
0x86: {  	_ =	shalt  }
0x87: {  	_ =	shalt  }
.Lfunc_end0:
.L_simem_size_0:
called_computation_lowered:
.L_overlay_start_0:
0x88: {  	s2 =	sld [smem:$0x3FD9]  }
0x89: {  	s3 =	sld [smem:$0x3FFE];
	_ =	sdelay $0x1  }
0x8a: {  	s1 =	srdreg.scid  }
0x8b: {  	s0 =	sand.u32 $0x1, s1  }
0x8c: {  	s16 =	sshll.u32 s0, $0xA;
	s2 =	sadd.s32 s3, s2  }
0x8d: {  	s2 =	sadd.s32 s2, s16  }
0x8e: {  	[smem:$0x3FB3] =	sst s2  }
0x8f: {  	_ = 	snop  }
0x90: {  	(tm) =	ssettm $0x1  }
0x91: {  	s17 =	sld [smem:$0x3FFB];
	_ =	sdelay $0x3  }
0x92: {  	_ =	strace s17  }
0x93: {  	s2 =	sld [smem:$0x3FFC];
	_ =	sdelay $0x3  }
0x94: {  	_ =	strace s2  }
0x95: {  	s2 =	sld [smem:$0x3FFD];
	_ =	sdelay $0x3  }
0x96: {  	_ =	strace s2  }
0x97: {  	_ =	strace $0x8FFFFFFF  }
0x98: {  	s18 =	sld [smem:$0x3FDB];
	_ =	sdelay $0x1  }
0x99: {  	s19 =	simm.s32 $_scs_section_size  }
0x9a: {  	s4 =	simm.s32 $_size__tile_overlayer_lowered;
	s5 =	simm.s32 $_tile_overlayer_lowered  }
0x9b: {  	s22 =	simm.s32 $0x1BFF;
	s21 =	sshll.u32 s5, $0x1;
	s2 =	sadd.s32 s19, s18  }
0x9c: {  	s6 =	simm.s32 $0x0;
	s20 =	sshll.u32 s4, $0x1;
	s4 =	sadd.s32 s21, s2  }
0x9d: {  	[timem:s6], [sflag:s22] =	dma.local [hbm:s4], s20  }
0x9e: {  	_ =	swait.ge [sflag:s22], s20  }
0x9f: {  	s3 =	ssub.s32 $0x0, s20;
	[sflag:s22] =	ssyncset.done $0x0  }
0xa0: {  	[sflag:s22] =	ssyncadd.s32 s3;
	_ =	sdelay $0x1  }
0xa1: {  	s23 =	simm.s32 $0x1B8B  }
0xa2: {  	_ =	swait.ge [sflag:s23], $0x1  }
0xa3: {  	[sflag:s23] =	ssyncset.done $0x0  }
0xa4: {  	s25 =	simm.s32 $0x1B8E;
	s24 =	sld [smem:$0x3FFE];
	[sflag:s23] =	ssyncadd.s32 $0xFFFFFFFF  }
0xa5: {  	s26 =	simm.s32 $execute0_lowered;
	[smem:$0x3FD2] =	sst s25  }
0xa6: {  	s4 =	sshll.u32 s26, $0x1;
	_ =	strace $0x80000046;
	[dreg:$0x1] =	wrdreg $0xFFFFFFFF  }
0xa7: {  	s28 =	simm.s32 $_size_execute0_lowered;
	s2 =	sadd.s32 s2, s4;
	[dreg:$0x0] =	wrdreg $0x0  }
0xa8: {  	s4 =	sshll.u32 s28, $0x1;
	[dreg:$0x2] =	wrdreg s2  }
0xa9: {  	[dreg:$0x3] =	wrdreg s4  }
0xaa: {  	[dreg:$0x4] =	wrdreg $0xC0  }
0xab: {  	_ =	task [dreg:s6], $0x5FFFF  }
0xac: {  	[dreg:$0x1] =	wrdreg $0xFFFFFFFF  }
0xad: {  	[dreg:$0x0] =	wrdreg $0x60  }
0xae: {  	[dreg:$0x2] =	wrdreg s24  }
0xaf: {  	[dreg:$0x3] =	wrdreg $0x9  }
0xb0: {  	_ =	task.clear_ibuf [dreg:s6], $0x4FFFF;
	_ =	strace $0x90000046  }
0xb1: {  	s29 =	simm.s32 $0x9;
	_ =	strace $0x80000048  }
0xb2: {  	_ =	swait.ge [sflag:s29], $0x1  }
0xb3: {  	[sflag:s29] =	ssyncadd.s32 $0xFFFFFFFF  }
0xb4: {  	_ =	strace $0x90000048  }
0xb5: {  	_ =	sfence  }
0xb6: {  	s30 =	sld [smem:$0x0];
	_ =	sdelay $0x2  }
0xb7: {  	s31 =	sshll.u32 s1, $0xD;
	s1 =	sshrl.u32 s1, $0x2  }
0xb8: {  	s3 =	sand.u32 $0x4000, s31;
	s1 =	sadd.s32 s1, s30  }
0xb9: {  	s0 =	sor.u32 s3, s0;
	s1 =	sshll.u32 s1, $0x11  }
0xba: {  	s0 =	sor.u32 s1, s0  }
0xbb: {  	s0 =	sadd.s32 $0x8F2B, s0  }
0xbc: {  	[sflag:s0] =	ssyncadd.remote.s32 $0x1  }
0xbd: {  	_ =	sfence.sel $0xFFFF  }
0xbe: {  	[dreg:$0x0] =	wrdreg $0xFFFFFFFF;
	(pc) =	sbr.abs _section_cstart, $3  }
0xbf: {  	[dreg:$0x1] =	wrdreg $0xFFFFFFFF  }
0xc0: {  	_ =	task.clear_ibuf [dreg:s6], $0x2FFFF;
	_ =	strace $0x9FFFFFFF  }
0xc1: {  	(tm) =	ssettm $0x7FFFFFFF  }
tec
execute0_lowered:
.L_overlay_start_1:
0x0: {  	(tag) =	ssettag $0x1  }
0x1: {  	s4 =	rddreg [dreg:$0x0]  }
0x2: {  	s0 =	rddreg [dreg:$0x1];
	s2 =	simm.s32 $0x0;
	s3 =	srdreg.scid  }
0x3: {  	s1 =	stileid.u32;
	s10 =	simm.s32 $0x1080;
	s11 =	simm.s32 $0x1880  }
0x4: {  	s12 =	simm.s32 $0x2080;
	s13 =	simm.s32 $0x2880;
	s14 =	simm.s32 $0x3080  }
0x5: {  	s15 =	simm.s32 $0x3880;
	s16 =	simm.s32 $0x4080;
	s17 =	simm.s32 $0x4880  }
0x6: {  	s18 =	simm.s32 $0x5080;
	s19 =	simm.s32 $0x5880;
	s20 =	simm.s32 $0x6080  }
0x7: {  	s21 =	simm.s32 $0x6880;
	s22 =	simm.s32 $0x7080;
	s23 =	simm.s32 $0x7880  }
0x8: {  	s24 =	simm.s32 $0x1;
	s25 =	simm.s32 $0x0;
	s6 =	smul.u32 $0x5000, s1  }
0x9: {  	[smem:$0x7FF] =	sst s2;
	s5 =	sand.u32 $0x1, s3;
	s8 =	smul.u32 $0xA0000, s1  }
0xa: {  	s3 =	sadd.s32 $0x53E00, s4;
	s7 =	smul.u32 $0x2800, s5;
	s9 =	ssub.s32 $0x2, s5  }
0xb: {  	_ =	strace $0x80000047;
	s5 =	smul.u32 $0x50000, s5;
	s31 =	sshrl.u32 s9, $0x1  }
0xc: {  	s8 =	sadd.s32 s8, s4;
	s6 =	sadd.s32 s7, s6;
	s7 =	ssub.s32 s9, s31  }
0xd: {  	v2 =	vlaneseq.u32;
	s5 =	sadd.s32 s5, s8;
	s8 =	simm.s32 $0x80;
	s6 =	sshrl.u32 s6, $0x3  }
0xe: {  	vm0 =	vmmov $0xffff;
	v1 =	vshrl.u32 v2, $0x3;
	s9 =	simm.s32 $0x880;
	s5 =	sadd.s32 $0xB6200, s5;
	s6 =	sadd.s32 s6, s4  }
0xf: {  	v0 =	vand.u32 $0x7, v2;
	v2 =	vor.u32 $0x8, v2;
	v1 =	vmul.u32 $0x8, v1;
	s4 =	smax.u32 s7, $0x1;
	s7 =	simm.s32 $0x2;
	s6 =	sadd.s32 $0xAC200, s6  }
.LBB2_1:
0x10: {  	s26 =	smov.u32 s5;
	s28 =	simm.s32 $0x0  }
.LBB2_2:
0x11: {  	s29 =	sadd.s32 s28, s6  }
0x12: {  	[tilespmem:s2], [sflag:$0x2] =	stream.linear.gather [hbm4b:s29+s2], $0x80, $0x38;
	[tilespmem:$0x8080] =	vst v63  }
0x13: {  	_ =	swait.ge [sflag:s7], $0x80  }
0x14: {  	[sflag:s7] =	ssyncset.done $0x0  }
0x15: {  	[sflag:s7] =	ssyncadd.s32 $0xFFFFFF80  }
0x16: {  	v3 =	vld [tilespmem:$0x0];
	_ =	sdelay $0x4  }
0x17: {  	v4 =	vshll.u32 v3, $0x1  }
0x18: {  	v3 =	vand.u32 $0x7, v3;
	v4 =	vand.u32 $0xFFFFFFF0, v4  }
0x19: {  	v3 =	vor.u32 v3, v4  }
0x1a: {  	v4 =	vperm.xlane v3, v0;
	_ =	sdelay $0x1  }
0x1b: {  	v3 =	vperm.xlane v3, v2;
	v4 =	vadd.s32 v1, v4;
	_ =	sdelay $0x1  }
0x1c: {  	v3 =	vadd.s32 v1, v3;
	_ =	sdelay $0x2  }
0x1d: {  	[tilespmem:s8], [sflag:$0x1] =	stream.indirect_vreg.gather [hbm4b:s3+s2], $0x80, v4, vm0, $0xb8;
	[tilespmem:$0x8080] =	vst v63  }
0x1e: {  	_ = 	snop  }
0x1f: {  	[tilespmem:s9], [sflag:$0x1] =	stream.indirect_vreg.gather [hbm4b:s3+s2], $0x80, v3, vm0, $0xb8;
	[tilespmem:$0x8080] =	vst v63  }
0x20: {  	v3 =	vld [tilespmem:$0x10];
	_ =	sdelay $0x4  }
0x21: {  	v57 =	vshll.u32 v3, $0x1  }
0x22: {  	v3 =	vand.u32 $0x7, v3;
	v4 =	vand.u32 $0xFFFFFFF0, v57  }
0x23: {  	v3 =	vor.u32 v3, v4  }
0x24: {  	v4 =	vperm.xlane v3, v0;
	_ =	sdelay $0x1  }
0x25: {  	v3 =	vperm.xlane v3, v2;
	v4 =	vadd.s32 v1, v4;
	_ =	sdelay $0x1  }
0x26: {  	v3 =	vadd.s32 v1, v3;
	_ =	sdelay $0x2  }
0x27: {  	[tilespmem:s10], [sflag:$0x1] =	stream.indirect_vreg.gather [hbm4b:s3+s2], $0x80, v4, vm0, $0xb8;
	[tilespmem:$0x8080] =	vst v63  }
0x28: {  	_ = 	snop  }
0x29: {  	[tilespmem:s11], [sflag:$0x1] =	stream.indirect_vreg.gather [hbm4b:s3+s2], $0x80, v3, vm0, $0xb8;
	[tilespmem:$0x8080] =	vst v63  }
0x2a: {  	v3 =	vld [tilespmem:$0x20];
	_ =	sdelay $0x4  }
0x2b: {  	v58 =	vshll.u32 v3, $0x1  }
0x2c: {  	v3 =	vand.u32 $0x7, v3;
	v4 =	vand.u32 $0xFFFFFFF0, v58  }
0x2d: {  	v3 =	vor.u32 v3, v4  }
0x2e: {  	v4 =	vperm.xlane v3, v0;
	_ =	sdelay $0x1  }
0x2f: {  	v3 =	vperm.xlane v3, v2;
	v4 =	vadd.s32 v1, v4;
	_ =	sdelay $0x1  }
0x30: {  	v3 =	vadd.s32 v1, v3;
	_ =	sdelay $0x2  }
0x31: {  	[tilespmem:s12], [sflag:$0x1] =	stream.indirect_vreg.gather [hbm4b:s3+s2], $0x80, v4, vm0, $0xb8;
	[tilespmem:$0x8080] =	vst v63  }
0x32: {  	_ = 	snop  }
0x33: {  	[tilespmem:s13], [sflag:$0x1] =	stream.indirect_vreg.gather [hbm4b:s3+s2], $0x80, v3, vm0, $0xb8;
	[tilespmem:$0x8080] =	vst v63  }
0x34: {  	v3 =	vld [tilespmem:$0x30];
	_ =	sdelay $0x4  }
0x35: {  	v59 =	vshll.u32 v3, $0x1  }
0x36: {  	v3 =	vand.u32 $0x7, v3;
	v4 =	vand.u32 $0xFFFFFFF0, v59  }
0x37: {  	v3 =	vor.u32 v3, v4  }
0x38: {  	v4 =	vperm.xlane v3, v0;
	_ =	sdelay $0x1  }
0x39: {  	v3 =	vperm.xlane v3, v2;
	v4 =	vadd.s32 v1, v4;
	_ =	sdelay $0x1  }
0x3a: {  	v3 =	vadd.s32 v1, v3;
	_ =	sdelay $0x2  }
0x3b: {  	[tilespmem:s14], [sflag:$0x1] =	stream.indirect_vreg.gather [hbm4b:s3+s2], $0x80, v4, vm0, $0xb8;
	[tilespmem:$0x8080] =	vst v63  }
0x3c: {  	_ = 	snop  }
0x3d: {  	[tilespmem:s15], [sflag:$0x1] =	stream.indirect_vreg.gather [hbm4b:s3+s2], $0x80, v3, vm0, $0xb8;
	[tilespmem:$0x8080] =	vst v63  }
0x3e: {  	v3 =	vld [tilespmem:$0x40];
	_ =	sdelay $0x4  }
0x3f: {  	v60 =	vshll.u32 v3, $0x1  }
0x40: {  	v3 =	vand.u32 $0x7, v3;
	v4 =	vand.u32 $0xFFFFFFF0, v60  }
0x41: {  	v3 =	vor.u32 v3, v4  }
0x42: {  	v4 =	vperm.xlane v3, v0;
	_ =	sdelay $0x1  }
0x43: {  	v3 =	vperm.xlane v3, v2;
	v4 =	vadd.s32 v1, v4;
	_ =	sdelay $0x1  }
0x44: {  	v3 =	vadd.s32 v1, v3;
	_ =	sdelay $0x2  }
0x45: {  	[tilespmem:s16], [sflag:$0x1] =	stream.indirect_vreg.gather [hbm4b:s3+s2], $0x80, v4, vm0, $0xb8;
	[tilespmem:$0x8080] =	vst v63  }
0x46: {  	_ = 	snop  }
0x47: {  	[tilespmem:s17], [sflag:$0x1] =	stream.indirect_vreg.gather [hbm4b:s3+s2], $0x80, v3, vm0, $0xb8;
	[tilespmem:$0x8080] =	vst v63  }
0x48: {  	v3 =	vld [tilespmem:$0x50];
	_ =	sdelay $0x4  }
0x49: {  	v61 =	vshll.u32 v3, $0x1  }
0x4a: {  	v3 =	vand.u32 $0x7, v3;
	v4 =	vand.u32 $0xFFFFFFF0, v61  }
0x4b: {  	v3 =	vor.u32 v3, v4  }
0x4c: {  	v4 =	vperm.xlane v3, v0;
	_ =	sdelay $0x1  }
0x4d: {  	v3 =	vperm.xlane v3, v2;
	v4 =	vadd.s32 v1, v4;
	_ =	sdelay $0x1  }
0x4e: {  	v3 =	vadd.s32 v1, v3;
	_ =	sdelay $0x2  }
0x4f: {  	[tilespmem:s18], [sflag:$0x1] =	stream.indirect_vreg.gather [hbm4b:s3+s2], $0x80, v4, vm0, $0xb8;
	[tilespmem:$0x8080] =	vst v63  }
0x50: {  	_ = 	snop  }
0x51: {  	[tilespmem:s19], [sflag:$0x1] =	stream.indirect_vreg.gather [hbm4b:s3+s2], $0x80, v3, vm0, $0xb8;
	[tilespmem:$0x8080] =	vst v63  }
0x52: {  	v3 =	vld [tilespmem:$0x60];
	_ =	sdelay $0x4  }
0x53: {  	v62 =	vshll.u32 v3, $0x1  }
0x54: {  	v3 =	vand.u32 $0x7, v3;
	v4 =	vand.u32 $0xFFFFFFF0, v62  }
0x55: {  	v3 =	vor.u32 v3, v4  }
0x56: {  	v4 =	vperm.xlane v3, v0;
	_ =	sdelay $0x1  }
0x57: {  	v3 =	vperm.xlane v3, v2;
	v4 =	vadd.s32 v1, v4;
	_ =	sdelay $0x1  }
0x58: {  	v3 =	vadd.s32 v1, v3;
	_ =	sdelay $0x2  }
0x59: {  	[tilespmem:s20], [sflag:$0x1] =	stream.indirect_vreg.gather [hbm4b:s3+s2], $0x80, v4, vm0, $0xb8;
	[tilespmem:$0x8080] =	vst v63  }
0x5a: {  	_ = 	snop  }
0x5b: {  	[tilespmem:s21], [sflag:$0x1] =	stream.indirect_vreg.gather [hbm4b:s3+s2], $0x80, v3, vm0, $0xb8;
	[tilespmem:$0x8080] =	vst v63  }
0x5c: {  	v3 =	vld [tilespmem:$0x70];
	_ =	sdelay $0x4  }
0x5d: {  	v63 =	vshll.u32 v3, $0x1  }
0x5e: {  	v3 =	vand.u32 $0x7, v3;
	v4 =	vand.u32 $0xFFFFFFF0, v63  }
0x5f: {  	v3 =	vor.u32 v3, v4  }
0x60: {  	v4 =	vperm.xlane v3, v0;
	_ =	sdelay $0x1  }
0x61: {  	v3 =	vperm.xlane v3, v2;
	v4 =	vadd.s32 v1, v4;
	_ =	sdelay $0x1  }
0x62: {  	v3 =	vadd.s32 v1, v3;
	_ =	sdelay $0x2  }
0x63: {  	[tilespmem:s22], [sflag:$0x1] =	stream.indirect_vreg.gather [hbm4b:s3+s2], $0x80, v4, vm0, $0xb8;
	[tilespmem:$0x8080] =	vst v63  }
0x64: {  	_ = 	snop  }
0x65: {  	[tilespmem:s23], [sflag:$0x1] =	stream.indirect_vreg.gather [hbm4b:s3+s2], $0x80, v3, vm0, $0xb8;
	[tilespmem:$0x8080] =	vst v63  }
0x66: {  	_ =	swait.ge [sflag:s24], $0x8000  }
0x67: {  	p0 =	sne.s32 s28, $0x4F0;
	[sflag:s24] =	ssyncset.done $0x0  }
.Ltmp0:
0x68: {  	[sflag:s24] =	ssyncadd.s32 $0xFFFF8000;
	(pc) =	sbr.rel @p0 .LBB2_2-.Ltmp0, $4  }
0x69: {  	[hbm4b:s26+s2] =	stream.linear.scatter [tilespmem:s8], [sflag:$0x2], $0x8000, $0x38;
	[tilespmem:$0x8080] =	vst v63  }
0x6a: {  	_ =	swait.ge [sflag:s7], $0x8000  }
0x6b: {  	[sflag:s7] =	ssyncset.done $0x0  }
0x6c: {  	s28 =	sadd.s32 $0x10, s28;
	s26 =	sadd.s32 $0x1000, s26;
	[sflag:s7] =	ssyncadd.s32 $0xFFFF8000  }
0x6d: {  	s25 =	sadd.s32 $0x1, s25  }
0x6e: {  	p0 =	sne.s32 s25, s4  }
.Ltmp1:
0x6f: {  	_ = 	snop;
	(pc) =	sbr.rel @p0 .LBB2_1-.Ltmp1, $1  }
0x70: {  	_ =	sdelay $0x3  }
0x71: {  	_ =	sfence.sel $0x180000  }
0x72: {  	[bflag:$0x0] =	sbarrier.arrive $0xFFFF  }
0x73: {  	p0 =	sne.s32 s1, $0x0;
	_ =	strace $0x90000047  }
0x74: {  	s0 =	sadd.s32 @!p0 $0x100000, s0;
	[bflag:$0x2] =	sbarrier.arrive $0xFFFF  }
0x75: {  	[sflag:s0] =	ssyncadd.tile.s32 @!p0 $0x1;
	_ =	shalt  }
.Lfunc_end2:
_tile_overlayer_lowered:
.L_overlay_start_2:
0x76: {  	(tag) =	ssettag $0x2  }
0x77: {  	s0 =	rddreg [dreg:$0x0];
	s2 =	stileid.u32  }
0x78: {  	s1 =	rddreg [dreg:$0x1];
	p0 =	sne.s32 s2, $0x0  }
0x79: {  	s3 =	rddreg [dreg:$0x2];
	[bflag:$0x3] =	sbarrier.arrive $0xFFFF;
	s2 =	simm.s32 @!p0 $0x1C02  }
0x7a: {  	[timem:s3], [sflag:s2] =	dma.local @!p0 [hbm:s0], s1  }
0x7b: {  	s0 =	simm.s32 @!p0 $0x2  }
0x7c: {  	_ =	swait.ge @!p0 [sflag:s0], s1  }
0x7d: {  	s1 =	ssub.s32 @!p0 $0x0, s1;
	[sflag:s0] =	ssyncset.done @!p0 $0x0  }
0x7e: {  	[sflag:s0] =	ssyncadd.s32 @!p0 s1  }
0x7f: {  	[bflag:$0x3] =	sbarrier.arrive $0xFFFF  }
0x80: {  	_ =	shalt  }

// kernel: kernel.17.cloned.1.call-start
scs
__scs_entry_jumppad:
0x0: {  	(pc) =	sbr.rel $0x88, $3  }
0x1: {  	(tag) =	ssettag $0x0;
	lr =	simm.s32 $0x1  }
0x2: {  	[smem:$0x3F8C] =	sst lr;
	_ =	strace $0xD0000000  }
0x3: {  	_ = 	snop  }
0x4: {  	_ = 	snop  }
0x5: {  	_ = 	snop  }
0x6: {  	_ = 	snop  }
0x7: {  	_ = 	snop  }
__scs_overlays_trampoline_lowered:
0x8: {  	[smem:$0x3F9B] =	sst s0  }
0x9: {  	[smem:$0x3F9C] =	sst s1  }
0xa: {  	[smem:$0x3F9D] =	sst s2  }
0xb: {  	[smem:$0x3F9E] =	sst s3  }
0xc: {  	[smem:$0x3F9F] =	sst s4  }
0xd: {  	[smem:$0x3FA0] =	sst s5  }
0xe: {  	[smem:$0x3FA1] =	sst s6  }
0xf: {  	[smem:$0x3FA2] =	sst s7  }
0x10: {  	[smem:$0x3FA3] =	sst s8  }
0x11: {  	[smem:$0x3FA4] =	sst s9;
	s0 =	simm.s32 @!p0 $0x0  }
0x12: {  	s1 =	sld [smem:$0x3F8A];
	s0 =	simm.s32 @p0 $0x1  }
0x13: {  	[smem:$0x3FA5] =	sst s0;
	s0 =	simm.s32 @!p1 $0x0  }
0x14: {  	s2 =	sld [smem:$0x3F89];
	s0 =	simm.s32 @p1 $0x1  }
0x15: {  	[smem:$0x3FA6] =	sst s0;
	s0 =	simm.s32 @!p2 $0x0  }
0x16: {  	s3 =	sld [smem:$0x3FDB];
	s0 =	simm.s32 @p2 $0x1  }
0x17: {  	s4 =	simm.s32 $0x1BF5;
	[smem:$0x3FA8] =	sst s0  }
0x18: {  	s0 =	sld [smem:$0x3F8B];
	_ =	swait.ge [sflag:s4], $0x0  }
0x19: {  	s7 =	sld [smem:$0x3F8C]  }
0x1a: {  	s8 =	sadd.s32 $0xFFFFE003, lr  }
0x1b: {  	s9 =	sadd.s32 $0xFFFFFEF7, lr;
	s5 =	simm.s32 $0xFFFFFFFF;
	p2 =	slt.u32 s8, $0xFFFFF086  }
0x1c: {  	p1 =	slt.u32 s9, $0xF7A;
	s5 =	simm.s32 @!p2 $0x0  }
0x1d: {  	s5 =	simm.s32 @p1 $0x1;
	p0 =	seq.s32 s7, s2  }
0x1e: {  	s7 =	smul.u32 @!p0 $0xF7A, s2;
	p2 =	seq.s32 @!p0 s5, $0x0  }
0x1f: {  	s9 =	smul.u32 $0xF7A, s1;
	s8 =	simm.s32 @!p0 $0x1BF5;
	p2 =	por !p2, p0  }
0x20: {  	[sflag:s8] =	ssyncset.s32 @!p0 $0xFFFFF086;
	s6 =	sadd.s32 @!p0 s3, s7;
	s7 =	simm.s32 @!p0 $0x108  }
0x21: {  	s3 =	sadd.s32 s3, s9;
	s6 =	sadd.s32 @!p0 $0x88, s6;
	s7 =	simm.s32 @p2 $0x1082  }
0x22: {  	[simem:s7], [sflag:s8] =	dma.local @!p0 [hbm:s6], $0xF7A  }
0x23: {  	s9 =	sor.u32 $0xD0000000, s2;
	s6 =	simm.s32 $0x108;
	_ =	swait.ge @!p0 [sflag:s8], $0x0  }
0x24: {  	s3 =	sadd.s32 $0x88, s3;
	s6 =	simm.s32 @!p1 $0x1082;
	[sflag:s4] =	ssyncset.s32 $0xFFFFF086  }
0x25: {  	[simem:s6], [sflag:s4] =	dma.local [hbm:s3], $0xF7A  }
0x26: {  	[smem:$0x3F8C] =	sst s1;
	(tag) =	ssettag s2;
	_ =	strace s9  }
0x27: {  	s1 =	sld [smem:$0x3F9C]  }
0x28: {  	s2 =	sld [smem:$0x3F9D]  }
0x29: {  	s4 =	sld [smem:$0x3F9F]  }
0x2a: {  	p0 =	seq.s32 s5, $0x0;
	s5 =	sld [smem:$0x3FA0]  }
0x2b: {  	s6 =	sld [smem:$0x3FA1]  }
0x2c: {  	s7 =	sld [smem:$0x3FA2]  }
0x2d: {  	s3 =	simm.s32 $0x108;
	s8 =	sld [smem:$0x3FA3]  }
0x2e: {  	s3 =	simm.s32 @!p0 $0x1082;
	s9 =	sld [smem:$0x3FA4]  }
0x2f: {  	lr =	sadd.s32 s0, s3;
	s0 =	sld [smem:$0x3F9B]  }
0x30: {  	s3 =	sld [smem:$0x3F9E]  }
0x31: {  	[smem:$0x3FA7] =	sst s10  }
0x32: {  	s10 =	sld [smem:$0x3FA5];
	_ =	sdelay $0x3  }
0x33: {  	p0 =	seq.s32 s10, $0x1;
	s10 =	sld [smem:$0x3FA7];
	_ =	sdelay $0x3  }
0x34: {  	[smem:$0x3FA7] =	sst s10  }
0x35: {  	s10 =	sld [smem:$0x3FA6];
	_ =	sdelay $0x3  }
0x36: {  	p1 =	seq.s32 s10, $0x1;
	s10 =	sld [smem:$0x3FA7];
	_ =	sdelay $0x3  }
0x37: {  	[smem:$0x3FA7] =	sst s10  }
0x38: {  	s10 =	sld [smem:$0x3FA8]  }
0x39: {  	_ = 	snop;
	(pc) =	sbr.ind lr, $3  }
0x3a: {  	_ = 	snop  }
0x3b: {  	_ = 	snop  }
0x3c: {  	p2 =	seq.s32 s10, $0x1;
	s10 =	sld [smem:$0x3FA7]  }
0x3d: {  	_ =	shalt  }
0x3e: {  	_ =	shalt  }
0x3f: {  	_ =	shalt  }
0x40: {  	_ =	shalt  }
0x41: {  	_ =	shalt  }
0x42: {  	_ =	shalt  }
0x43: {  	_ =	shalt  }
0x44: {  	_ =	shalt  }
0x45: {  	_ =	shalt  }
0x46: {  	_ =	shalt  }
0x47: {  	_ =	shalt  }
0x48: {  	_ =	shalt  }
0x49: {  	_ =	shalt  }
0x4a: {  	_ =	shalt  }
0x4b: {  	_ =	shalt  }
0x4c: {  	_ =	shalt  }
0x4d: {  	_ =	shalt  }
0x4e: {  	_ =	shalt  }
0x4f: {  	_ =	shalt  }
0x50: {  	_ =	shalt  }
0x51: {  	_ =	shalt  }
0x52: {  	_ =	shalt  }
0x53: {  	_ =	shalt  }
0x54: {  	_ =	shalt  }
0x55: {  	_ =	shalt  }
0x56: {  	_ =	shalt  }
0x57: {  	_ =	shalt  }
0x58: {  	_ =	shalt  }
0x59: {  	_ =	shalt  }
0x5a: {  	_ =	shalt  }
0x5b: {  	_ =	shalt  }
0x5c: {  	_ =	shalt  }
0x5d: {  	_ =	shalt  }
0x5e: {  	_ =	shalt  }
0x5f: {  	_ =	shalt  }
0x60: {  	_ =	shalt  }
0x61: {  	_ =	shalt  }
0x62: {  	_ =	shalt  }
0x63: {  	_ =	shalt  }
0x64: {  	_ =	shalt  }
0x65: {  	_ =	shalt  }
0x66: {  	_ =	shalt  }
0x67: {  	_ =	shalt  }
0x68: {  	_ =	shalt  }
0x69: {  	_ =	shalt  }
0x6a: {  	_ =	shalt  }
0x6b: {  	_ =	shalt  }
0x6c: {  	_ =	shalt  }
0x6d: {  	_ =	shalt  }
0x6e: {  	_ =	shalt  }
0x6f: {  	_ =	shalt  }
0x70: {  	_ =	shalt  }
0x71: {  	_ =	shalt  }
0x72: {  	_ =	shalt  }
0x73: {  	_ =	shalt  }
0x74: {  	_ =	shalt  }
0x75: {  	_ =	shalt  }
0x76: {  	_ =	shalt  }
0x77: {  	_ =	shalt  }
0x78: {  	_ =	shalt  }
0x79: {  	_ =	shalt  }
0x7a: {  	_ =	shalt  }
0x7b: {  	_ =	shalt  }
0x7c: {  	_ =	shalt  }
0x7d: {  	_ =	shalt  }
0x7e: {  	_ =	shalt  }
0x7f: {  	_ =	shalt  }
0x80: {  	_ =	shalt  }
0x81: {  	_ =	shalt  }
0x82: {  	_ =	shalt  }
0x83: {  	_ =	shalt  }
0x84: {  	_ =	shalt  }
0x85: {  	_ =	shalt  }
0x86: {  	_ =	shalt  }
0x87: {  	_ =	shalt  }
.Lfunc_end0:
.L_simem_size_0:
called_computation.1_lowered:
.L_overlay_start_0:
0x88: {  	s2 =	sld [smem:$0x3FD9]  }
0x89: {  	s3 =	sld [smem:$0x3FFE];
	_ =	sdelay $0x1  }
0x8a: {  	s1 =	srdreg.scid  }
0x8b: {  	s0 =	sand.u32 $0x1, s1  }
0x8c: {  	s16 =	sshll.u32 s0, $0xA;
	s2 =	sadd.s32 s3, s2  }
0x8d: {  	s2 =	sadd.s32 s2, s16  }
0x8e: {  	[smem:$0x3FB3] =	sst s2  }
0x8f: {  	_ = 	snop  }
0x90: {  	(tm) =	ssettm $0x1  }
0x91: {  	s17 =	sld [smem:$0x3FFB];
	_ =	sdelay $0x3  }
0x92: {  	_ =	strace s17  }
0x93: {  	s2 =	sld [smem:$0x3FFC];
	_ =	sdelay $0x3  }
0x94: {  	_ =	strace s2  }
0x95: {  	s2 =	sld [smem:$0x3FFD];
	_ =	sdelay $0x3  }
0x96: {  	_ =	strace s2  }
0x97: {  	_ =	strace $0x8FFFFFFF  }
0x98: {  	s18 =	sld [smem:$0x3FDB];
	_ =	sdelay $0x1  }
0x99: {  	s19 =	simm.s32 $_scs_section_size  }
0x9a: {  	s4 =	simm.s32 $_size__tile_overlayer_lowered;
	s5 =	simm.s32 $_tile_overlayer_lowered  }
0x9b: {  	s22 =	simm.s32 $0x1BFF;
	s21 =	sshll.u32 s5, $0x1;
	s2 =	sadd.s32 s19, s18  }
0x9c: {  	s6 =	simm.s32 $0x0;
	s20 =	sshll.u32 s4, $0x1;
	s4 =	sadd.s32 s21, s2  }
0x9d: {  	[timem:s6], [sflag:s22] =	dma.local [hbm:s4], s20  }
0x9e: {  	_ =	swait.ge [sflag:s22], s20  }
0x9f: {  	s3 =	ssub.s32 $0x0, s20;
	[sflag:s22] =	ssyncset.done $0x0  }
0xa0: {  	[sflag:s22] =	ssyncadd.s32 s3;
	_ =	sdelay $0x1  }
0xa1: {  	s23 =	simm.s32 $0x1B8B  }
0xa2: {  	_ =	swait.ge [sflag:s23], $0x1  }
0xa3: {  	[sflag:s23] =	ssyncset.done $0x0  }
0xa4: {  	s25 =	simm.s32 $0x1B8E;
	s24 =	sld [smem:$0x3FFE];
	[sflag:s23] =	ssyncadd.s32 $0xFFFFFFFF  }
0xa5: {  	s26 =	simm.s32 $execute0_lowered;
	[smem:$0x3FD2] =	sst s25  }
0xa6: {  	s4 =	sshll.u32 s26, $0x1;
	_ =	strace $0x80000049;
	[dreg:$0x1] =	wrdreg $0xFFFFFFFF  }
0xa7: {  	s28 =	simm.s32 $_size_execute0_lowered;
	s2 =	sadd.s32 s2, s4;
	[dreg:$0x0] =	wrdreg $0x0  }
0xa8: {  	s4 =	sshll.u32 s28, $0x1;
	[dreg:$0x2] =	wrdreg s2  }
0xa9: {  	[dreg:$0x3] =	wrdreg s4  }
0xaa: {  	[dreg:$0x4] =	wrdreg $0xC0  }
0xab: {  	_ =	task [dreg:s6], $0x5FFFF  }
0xac: {  	[dreg:$0x1] =	wrdreg $0xFFFFFFFF  }
0xad: {  	[dreg:$0x0] =	wrdreg $0x60  }
0xae: {  	[dreg:$0x2] =	wrdreg s24  }
0xaf: {  	[dreg:$0x3] =	wrdreg $0x9  }
0xb0: {  	_ =	task.clear_ibuf [dreg:s6], $0x4FFFF;
	_ =	strace $0x90000049  }
0xb1: {  	s29 =	simm.s32 $0x9;
	_ =	strace $0x8000004B  }
0xb2: {  	_ =	swait.ge [sflag:s29], $0x1  }
0xb3: {  	[sflag:s29] =	ssyncadd.s32 $0xFFFFFFFF  }
0xb4: {  	_ =	strace $0x9000004B  }
0xb5: {  	_ =	sfence  }
0xb6: {  	s30 =	sld [smem:$0x0];
	_ =	sdelay $0x2  }
0xb7: {  	s31 =	sshll.u32 s1, $0xD;
	s1 =	sshrl.u32 s1, $0x2  }
0xb8: {  	s3 =	sand.u32 $0x4000, s31;
	s1 =	sadd.s32 s1, s30  }
0xb9: {  	s0 =	sor.u32 s3, s0;
	s1 =	sshll.u32 s1, $0x11  }
0xba: {  	s0 =	sor.u32 s1, s0  }
0xbb: {  	s0 =	sadd.s32 $0x8F2B, s0  }
0xbc: {  	[sflag:s0] =	ssyncadd.remote.s32 $0x1  }
0xbd: {  	_ =	sfence.sel $0xFFFF  }
0xbe: {  	[dreg:$0x0] =	wrdreg $0xFFFFFFFF;
	(pc) =	sbr.abs _section_cstart, $3  }
0xbf: {  	[dreg:$0x1] =	wrdreg $0xFFFFFFFF  }
0xc0: {  	_ =	task.clear_ibuf [dreg:s6], $0x2FFFF;
	_ =	strace $0x9FFFFFFF  }
0xc1: {  	(tm) =	ssettm $0x7FFFFFFF  }
tec
execute0_lowered:
.L_overlay_start_1:
0x0: {  	(tag) =	ssettag $0x1  }
0x1: {  	s4 =	rddreg [dreg:$0x0]  }
0x2: {  	s0 =	rddreg [dreg:$0x1];
	s2 =	simm.s32 $0x0;
	s3 =	srdreg.scid  }
0x3: {  	s1 =	stileid.u32;
	s10 =	simm.s32 $0x1080;
	s11 =	simm.s32 $0x1880  }
0x4: {  	s12 =	simm.s32 $0x2080;
	s13 =	simm.s32 $0x2880;
	s14 =	simm.s32 $0x3080  }
0x5: {  	s15 =	simm.s32 $0x3880;
	s16 =	simm.s32 $0x4080;
	s17 =	simm.s32 $0x4880  }
0x6: {  	s18 =	simm.s32 $0x5080;
	s19 =	simm.s32 $0x5880;
	s20 =	simm.s32 $0x6080  }
0x7: {  	s21 =	simm.s32 $0x6880;
	s22 =	simm.s32 $0x7080;
	s23 =	simm.s32 $0x7880  }
0x8: {  	s24 =	simm.s32 $0x1;
	s25 =	simm.s32 $0x0;
	s6 =	smul.u32 $0x5000, s1  }
0x9: {  	[smem:$0x7FF] =	sst s2;
	s5 =	sand.u32 $0x1, s3;
	s8 =	smul.u32 $0xA0000, s1  }
0xa: {  	s3 =	sadd.s32 $0x53E00, s4;
	s7 =	smul.u32 $0x2800, s5;
	s9 =	ssub.s32 $0x2, s5  }
0xb: {  	_ =	strace $0x8000004A;
	s5 =	smul.u32 $0x50000, s5;
	s31 =	sshrl.u32 s9, $0x1  }
0xc: {  	s8 =	sadd.s32 s8, s4;
	s6 =	sadd.s32 s7, s6;
	s7 =	ssub.s32 s9, s31  }
0xd: {  	v2 =	vlaneseq.u32;
	s5 =	sadd.s32 s5, s8;
	s8 =	simm.s32 $0x80;
	s6 =	sshrl.u32 s6, $0x3  }
0xe: {  	vm0 =	vmmov $0xffff;
	v1 =	vshrl.u32 v2, $0x3;
	s9 =	simm.s32 $0x880;
	s5 =	sadd.s32 $0xB6200, s5;
	s6 =	sadd.s32 s6, s4  }
0xf: {  	v0 =	vand.u32 $0x7, v2;
	v2 =	vor.u32 $0x8, v2;
	v1 =	vmul.u32 $0x8, v1;
	s4 =	smax.u32 s7, $0x1;
	s7 =	simm.s32 $0x2;
	s6 =	sadd.s32 $0xAC200, s6  }
.LBB2_1:
0x10: {  	s26 =	smov.u32 s5;
	s28 =	simm.s32 $0x0  }
.LBB2_2:
0x11: {  	s29 =	sadd.s32 s28, s6  }
0x12: {  	[tilespmem:s2], [sflag:$0x2] =	stream.linear.gather [hbm4b:s29+s2], $0x80, $0x38;
	[tilespmem:$0x8080] =	vst v63  }
0x13: {  	_ =	swait.ge [sflag:s7], $0x80  }
0x14: {  	[sflag:s7] =	ssyncset.done $0x0  }
0x15: {  	[sflag:s7] =	ssyncadd.s32 $0xFFFFFF80  }
0x16: {  	v3 =	vld [tilespmem:$0x0];
	_ =	sdelay $0x4  }
0x17: {  	v4 =	vshll.u32 v3, $0x1  }
0x18: {  	v3 =	vand.u32 $0x7, v3;
	v4 =	vand.u32 $0xFFFFFFF0, v4  }
0x19: {  	v3 =	vor.u32 v3, v4  }
0x1a: {  	v4 =	vperm.xlane v3, v0;
	_ =	sdelay $0x1  }
0x1b: {  	v3 =	vperm.xlane v3, v2;
	v4 =	vadd.s32 v1, v4;
	_ =	sdelay $0x1  }
0x1c: {  	v3 =	vadd.s32 v1, v3;
	_ =	sdelay $0x2  }
0x1d: {  	[tilespmem:s8], [sflag:$0x1] =	stream.indirect_vreg.gather [hbm4b:s3+s2], $0x80, v4, vm0, $0xb8;
	[tilespmem:$0x8080] =	vst v63  }
0x1e: {  	_ = 	snop  }
0x1f: {  	[tilespmem:s9], [sflag:$0x1] =	stream.indirect_vreg.gather [hbm4b:s3+s2], $0x80, v3, vm0, $0xb8;
	[tilespmem:$0x8080] =	vst v63  }
0x20: {  	v3 =	vld [tilespmem:$0x10];
	_ =	sdelay $0x4  }
0x21: {  	v57 =	vshll.u32 v3, $0x1  }
0x22: {  	v3 =	vand.u32 $0x7, v3;
	v4 =	vand.u32 $0xFFFFFFF0, v57  }
0x23: {  	v3 =	vor.u32 v3, v4  }
0x24: {  	v4 =	vperm.xlane v3, v0;
	_ =	sdelay $0x1  }
0x25: {  	v3 =	vperm.xlane v3, v2;
	v4 =	vadd.s32 v1, v4;
	_ =	sdelay $0x1  }
0x26: {  	v3 =	vadd.s32 v1, v3;
	_ =	sdelay $0x2  }
0x27: {  	[tilespmem:s10], [sflag:$0x1] =	stream.indirect_vreg.gather [hbm4b:s3+s2], $0x80, v4, vm0, $0xb8;
	[tilespmem:$0x8080] =	vst v63  }
0x28: {  	_ = 	snop  }
0x29: {  	[tilespmem:s11], [sflag:$0x1] =	stream.indirect_vreg.gather [hbm4b:s3+s2], $0x80, v3, vm0, $0xb8;
	[tilespmem:$0x8080] =	vst v63  }
0x2a: {  	v3 =	vld [tilespmem:$0x20];
	_ =	sdelay $0x4  }
0x2b: {  	v58 =	vshll.u32 v3, $0x1  }
0x2c: {  	v3 =	vand.u32 $0x7, v3;
	v4 =	vand.u32 $0xFFFFFFF0, v58  }
0x2d: {  	v3 =	vor.u32 v3, v4  }
0x2e: {  	v4 =	vperm.xlane v3, v0;
	_ =	sdelay $0x1  }
0x2f: {  	v3 =	vperm.xlane v3, v2;
	v4 =	vadd.s32 v1, v4;
	_ =	sdelay $0x1  }
0x30: {  	v3 =	vadd.s32 v1, v3;
	_ =	sdelay $0x2  }
0x31: {  	[tilespmem:s12], [sflag:$0x1] =	stream.indirect_vreg.gather [hbm4b:s3+s2], $0x80, v4, vm0, $0xb8;
	[tilespmem:$0x8080] =	vst v63  }
0x32: {  	_ = 	snop  }
0x33: {  	[tilespmem:s13], [sflag:$0x1] =	stream.indirect_vreg.gather [hbm4b:s3+s2], $0x80, v3, vm0, $0xb8;
	[tilespmem:$0x8080] =	vst v63  }
0x34: {  	v3 =	vld [tilespmem:$0x30];
	_ =	sdelay $0x4  }
0x35: {  	v59 =	vshll.u32 v3, $0x1  }
0x36: {  	v3 =	vand.u32 $0x7, v3;
	v4 =	vand.u32 $0xFFFFFFF0, v59  }
0x37: {  	v3 =	vor.u32 v3, v4  }
0x38: {  	v4 =	vperm.xlane v3, v0;
	_ =	sdelay $0x1  }
0x39: {  	v3 =	vperm.xlane v3, v2;
	v4 =	vadd.s32 v1, v4;
	_ =	sdelay $0x1  }
0x3a: {  	v3 =	vadd.s32 v1, v3;
	_ =	sdelay $0x2  }
0x3b: {  	[tilespmem:s14], [sflag:$0x1] =	stream.indirect_vreg.gather [hbm4b:s3+s2], $0x80, v4, vm0, $0xb8;
	[tilespmem:$0x8080] =	vst v63  }
0x3c: {  	_ = 	snop  }
0x3d: {  	[tilespmem:s15], [sflag:$0x1] =	stream.indirect_vreg.gather [hbm4b:s3+s2], $0x80, v3, vm0, $0xb8;
	[tilespmem:$0x8080] =	vst v63  }
0x3e: {  	v3 =	vld [tilespmem:$0x40];
	_ =	sdelay $0x4  }
0x3f: {  	v60 =	vshll.u32 v3, $0x1  }
0x40: {  	v3 =	vand.u32 $0x7, v3;
	v4 =	vand.u32 $0xFFFFFFF0, v60  }
0x41: {  	v3 =	vor.u32 v3, v4  }
0x42: {  	v4 =	vperm.xlane v3, v0;
	_ =	sdelay $0x1  }
0x43: {  	v3 =	vperm.xlane v3, v2;
	v4 =	vadd.s32 v1, v4;
	_ =	sdelay $0x1  }
0x44: {  	v3 =	vadd.s32 v1, v3;
	_ =	sdelay $0x2  }
0x45: {  	[tilespmem:s16], [sflag:$0x1] =	stream.indirect_vreg.gather [hbm4b:s3+s2], $0x80, v4, vm0, $0xb8;
	[tilespmem:$0x8080] =	vst v63  }
0x46: {  	_ = 	snop  }
0x47: {  	[tilespmem:s17], [sflag:$0x1] =	stream.indirect_vreg.gather [hbm4b:s3+s2], $0x80, v3, vm0, $0xb8;
	[tilespmem:$0x8080] =	vst v63  }
0x48: {  	v3 =	vld [tilespmem:$0x50];
	_ =	sdelay $0x4  }
0x49: {  	v61 =	vshll.u32 v3, $0x1  }
0x4a: {  	v3 =	vand.u32 $0x7, v3;
	v4 =	vand.u32 $0xFFFFFFF0, v61  }
0x4b: {  	v3 =	vor.u32 v3, v4  }
0x4c: {  	v4 =	vperm.xlane v3, v0;
	_ =	sdelay $0x1  }
0x4d: {  	v3 =	vperm.xlane v3, v2;
	v4 =	vadd.s32 v1, v4;
	_ =	sdelay $0x1  }
0x4e: {  	v3 =	vadd.s32 v1, v3;
	_ =	sdelay $0x2  }
0x4f: {  	[tilespmem:s18], [sflag:$0x1] =	stream.indirect_vreg.gather [hbm4b:s3+s2], $0x80, v4, vm0, $0xb8;
	[tilespmem:$0x8080] =	vst v63  }
0x50: {  	_ = 	snop  }
0x51: {  	[tilespmem:s19], [sflag:$0x1] =	stream.indirect_vreg.gather [hbm4b:s3+s2], $0x80, v3, vm0, $0xb8;
	[tilespmem:$0x8080] =	vst v63  }
0x52: {  	v3 =	vld [tilespmem:$0x60];
	_ =	sdelay $0x4  }
0x53: {  	v62 =	vshll.u32 v3, $0x1  }
0x54: {  	v3 =	vand.u32 $0x7, v3;
	v4 =	vand.u32 $0xFFFFFFF0, v62  }
0x55: {  	v3 =	vor.u32 v3, v4  }
0x56: {  	v4 =	vperm.xlane v3, v0;
	_ =	sdelay $0x1  }
0x57: {  	v3 =	vperm.xlane v3, v2;
	v4 =	vadd.s32 v1, v4;
	_ =	sdelay $0x1  }
0x58: {  	v3 =	vadd.s32 v1, v3;
	_ =	sdelay $0x2  }
0x59: {  	[tilespmem:s20], [sflag:$0x1] =	stream.indirect_vreg.gather [hbm4b:s3+s2], $0x80, v4, vm0, $0xb8;
	[tilespmem:$0x8080] =	vst v63  }
0x5a: {  	_ = 	snop  }
0x5b: {  	[tilespmem:s21], [sflag:$0x1] =	stream.indirect_vreg.gather [hbm4b:s3+s2], $0x80, v3, vm0, $0xb8;
	[tilespmem:$0x8080] =	vst v63  }
0x5c: {  	v3 =	vld [tilespmem:$0x70];
	_ =	sdelay $0x4  }
0x5d: {  	v63 =	vshll.u32 v3, $0x1  }
0x5e: {  	v3 =	vand.u32 $0x7, v3;
	v4 =	vand.u32 $0xFFFFFFF0, v63  }
0x5f: {  	v3 =	vor.u32 v3, v4  }
0x60: {  	v4 =	vperm.xlane v3, v0;
	_ =	sdelay $0x1  }
0x61: {  	v3 =	vperm.xlane v3, v2;
	v4 =	vadd.s32 v1, v4;
	_ =	sdelay $0x1  }
0x62: {  	v3 =	vadd.s32 v1, v3;
	_ =	sdelay $0x2  }
0x63: {  	[tilespmem:s22], [sflag:$0x1] =	stream.indirect_vreg.gather [hbm4b:s3+s2], $0x80, v4, vm0, $0xb8;
	[tilespmem:$0x8080] =	vst v63  }
0x64: {  	_ = 	snop  }
0x65: {  	[tilespmem:s23], [sflag:$0x1] =	stream.indirect_vreg.gather [hbm4b:s3+s2], $0x80, v3, vm0, $0xb8;
	[tilespmem:$0x8080] =	vst v63  }
0x66: {  	_ =	swait.ge [sflag:s24], $0x8000  }
0x67: {  	p0 =	sne.s32 s28, $0x4F0;
	[sflag:s24] =	ssyncset.done $0x0  }
.Ltmp0:
0x68: {  	[sflag:s24] =	ssyncadd.s32 $0xFFFF8000;
	(pc) =	sbr.rel @p0 .LBB2_2-.Ltmp0, $4  }
0x69: {  	[hbm4b:s26+s2] =	stream.linear.scatter [tilespmem:s8], [sflag:$0x2], $0x8000, $0x38;
	[tilespmem:$0x8080] =	vst v63  }
0x6a: {  	_ =	swait.ge [sflag:s7], $0x8000  }
0x6b: {  	[sflag:s7] =	ssyncset.done $0x0  }
0x6c: {  	s28 =	sadd.s32 $0x10, s28;
	s26 =	sadd.s32 $0x1000, s26;
	[sflag:s7] =	ssyncadd.s32 $0xFFFF8000  }
0x6d: {  	s25 =	sadd.s32 $0x1, s25  }
0x6e: {  	p0 =	sne.s32 s25, s4  }
.Ltmp1:
0x6f: {  	_ = 	snop;
	(pc) =	sbr.rel @p0 .LBB2_1-.Ltmp1, $1  }
0x70: {  	_ =	sdelay $0x3  }
0x71: {  	_ =	sfence.sel $0x180000  }
0x72: {  	[bflag:$0x0] =	sbarrier.arrive $0xFFFF  }
0x73: {  	p0 =	sne.s32 s1, $0x0;
	_ =	strace $0x9000004A  }
0x74: {  	s0 =	sadd.s32 @!p0 $0x100000, s0;
	[bflag:$0x2] =	sbarrier.arrive $0xFFFF  }
0x75: {  	[sflag:s0] =	ssyncadd.tile.s32 @!p0 $0x1;
	_ =	shalt  }
.Lfunc_end2:
_tile_overlayer_lowered:
.L_overlay_start_2:
0x76: {  	(tag) =	ssettag $0x2  }
0x77: {  	s0 =	rddreg [dreg:$0x0];
	s2 =	stileid.u32  }
0x78: {  	s1 =	rddreg [dreg:$0x1];
	p0 =	sne.s32 s2, $0x0  }
0x79: {  	s3 =	rddreg [dreg:$0x2];
	[bflag:$0x3] =	sbarrier.arrive $0xFFFF;
	s2 =	simm.s32 @!p0 $0x1C02  }
0x7a: {  	[timem:s3], [sflag:s2] =	dma.local @!p0 [hbm:s0], s1  }
0x7b: {  	s0 =	simm.s32 @!p0 $0x2  }
0x7c: {  	_ =	swait.ge @!p0 [sflag:s0], s1  }
0x7d: {  	s1 =	ssub.s32 @!p0 $0x0, s1;
	[sflag:s0] =	ssyncset.done @!p0 $0x0  }
0x7e: {  	[sflag:s0] =	ssyncadd.s32 @!p0 s1  }
0x7f: {  	[bflag:$0x3] =	sbarrier.arrive $0xFFFF  }
0x80: {  	_ =	shalt  }

</sc_bundles>
